<compile_context>
chip_gen: v7x
topology: tpu7x:2x2x1
jax: 0.10.2.dev20260603
libtpu: 0.0.44.dev20260713+nightly
codegen_flags: <defaults>
</compile_context>

<pallas_src>
import functools

import jax
import jax.numpy as jnp
from jax import lax
from jax.experimental import pallas as pl
from jax.experimental.pallas import tpu as pltpu
from jax.experimental.pallas import tpu_sc as plsc

BATCH = 16384
NC = 2
NS = 16
NW = NC * NS
LANES = 16
B_PER_W = BATCH // NW
CHUNK = 128
NCHUNK = B_PER_W // CHUNK

_mesh = plsc.VectorSubcoreMesh(core_axis_name="c", subcore_axis_name="s")


@functools.partial(
    pl.kernel,
    out_type=jax.ShapeDtypeStruct((BATCH,), jnp.float32),
    mesh=_mesh,
    scratch_types=[
        pltpu.VMEM((B_PER_W,), jnp.int32),
        pltpu.VMEM((B_PER_W,), jnp.float32),
        pltpu.VMEM((B_PER_W,), jnp.float32),
        pltpu.VMEM((B_PER_W,), jnp.float32),
        pltpu.VMEM((B_PER_W,), jnp.float32),
        pltpu.SemaphoreType.DMA,
        pltpu.SemaphoreType.DMA,
        pltpu.SemaphoreType.DMA,
        pltpu.SemaphoreType.DMA,
        pltpu.SemaphoreType.DMA,
        pltpu.SemaphoreType.DMA,
    ],
)
def _sn_sc_kernel(s_hbm, idx_hbm, a_hbm, b_hbm, out_hbm,
                  idx_v, s_v, ga_v, gb_v, o_v,
                  g0, g1, g2, g3, ssem, osem):
    wid = lax.axis_index("s") * NC + lax.axis_index("c")
    base = wid * B_PER_W
    gsem = (g0, g1, g2, g3)

    pltpu.sync_copy(idx_hbm.at[pl.ds(base, B_PER_W)], idx_v)
    s_cp = pltpu.async_copy(s_hbm.at[pl.ds(base, B_PER_W)], s_v, ssem)

    copies = []
    for j in range(NCHUNK):
        isl = pl.ds(j * CHUNK, CHUNK)
        copies.append((
            pltpu.async_copy(a_hbm.at[idx_v.at[isl]], ga_v.at[isl], gsem[j]),
            pltpu.async_copy(b_hbm.at[idx_v.at[isl]], gb_v.at[isl], gsem[j]),
        ))
    s_cp.wait()

    out_copies = []
    for j in range(NCHUNK):
        ca, cb = copies[j]
        ca.wait()
        cb.wait()
        for i in range(CHUNK // LANES):
            sl = pl.ds(j * CHUNK + i * LANES, LANES)
            o_v[sl] = jnp.abs(gb_v[sl]) - jnp.abs(ga_v[sl]) * s_v[sl]
        out_copies.append(pltpu.async_copy(
            o_v.at[pl.ds(j * CHUNK, CHUNK)],
            out_hbm.at[pl.ds(base + j * CHUNK, CHUNK)], osem))
    for c in out_copies:
        c.wait()


def kernel(s, x_cluster, a, b):
    return _sn_sc_kernel(s, x_cluster.astype(jnp.int32), a, b)

# --- scband reference (transcript-rebuilt; emitter-appended) ---
"""Pipeline reference for scband-abstract-sn-69209103007967 (READ-ONLY COPY).

The authoritative reference and input builder live on the scoring server;
editing this copy changes nothing except your own understanding.
"""

import jax, jax.numpy as jnp
import numpy as np

N_CLUSTERS = 1000000
BATCH = 16384

def setup_inputs(seed: int = 0) -> dict:
    key = jax.random.key(seed)
    k1, k2 = jax.random.split(key)
    s = jax.random.normal(k1, (BATCH,), dtype=jnp.float32)
    x_cluster = jax.random.randint(k2, (BATCH,), 0, N_CLUSTERS, dtype=jnp.int64 if jax.config.jax_enable_x64 else jnp.int32)
    a = jnp.ones((N_CLUSTERS,), dtype=jnp.float32)
    b = jnp.ones((N_CLUSTERS,), dtype=jnp.float32) * 5.0
    return {"s": s, "x_cluster": x_cluster, "a": a, "b": b}

def reference(s, x_cluster, a, b):
    # _linear: -abs(a[x_cluster]) * s + abs(b[x_cluster])
    a_g = jnp.take(a, x_cluster, axis=0)
    b_g = jnp.take(b, x_cluster, axis=0)
    lstsq_output = -jnp.abs(a_g) * s + jnp.abs(b_g)
    return lstsq_output

if __name__ == "__main__":
    import jax
    _d = setup_inputs()
    print(jax.jit(kernel)(*tuple(_d.values())))

</pallas_src>

<mosaic_0001>
#map = affine_map<(d0, d1) -> (0)>
module attributes {stable_mosaic.version = 14 : i64} {
  func.func @_sn_sc_kernel(%arg0: i32, %arg1: i32, %arg2: memref<16384xf32, #tpu.memory_space<hbm>>, %arg3: memref<16384xi32, #tpu.memory_space<hbm>>, %arg4: memref<1000000xf32, #tpu.memory_space<hbm>>, %arg5: memref<1000000xf32, #tpu.memory_space<hbm>>, %arg6: memref<16384xf32, #tpu.memory_space<hbm>>, %arg7: memref<512xi32, #tpu.memory_space<vmem>>, %arg8: memref<512xf32, #tpu.memory_space<vmem>>, %arg9: memref<512xf32, #tpu.memory_space<vmem>>, %arg10: memref<512xf32, #tpu.memory_space<vmem>>, %arg11: memref<512xf32, #tpu.memory_space<vmem>>, %arg12: memref<!tpu.dma_semaphore, #tpu.memory_space<semaphore_mem>>, %arg13: memref<!tpu.dma_semaphore, #tpu.memory_space<semaphore_mem>>, %arg14: memref<!tpu.dma_semaphore, #tpu.memory_space<semaphore_mem>>, %arg15: memref<!tpu.dma_semaphore, #tpu.memory_space<semaphore_mem>>, %arg16: memref<!tpu.dma_semaphore, #tpu.memory_space<semaphore_mem>>, %arg17: memref<!tpu.dma_semaphore, #tpu.memory_space<semaphore_mem>>) attributes {dimension_semantics = [#tpu.dimension_semantics<core_parallel>, #tpu.dimension_semantics<subcore_parallel>], iteration_bounds = array<i64: 2, 16>, scalar_prefetch = 0 : i64, scratch_operands = 11 : i64, tpu.core_type = #tpu.core_type<sc_vector_subcore>, window_params = [{transform_indices = #map}, {transform_indices = #map}, {transform_indices = #map}, {transform_indices = #map}, {transform_indices = #map}]} {
    %mul3A = arith.constant 2 : i32
    %mul3A_0 = arith.muli %arg1, %mul3A : i32
    %add3A = arith.addi %mul3A_0, %arg0 : i32
    %mul3A_1 = arith.constant 512 : i32
    %mul3A_2 = arith.muli %add3A, %mul3A_1 : i32
    "tpu.region"() ({
      %run_scoped3A = tpu.sem_alloc : memref<!tpu.dma_semaphore, #tpu.memory_space<semaphore_mem>>
      %dma_start3A_697 = tpu.memref_slice %arg3[%mul3A_2] : memref<16384xi32, #tpu.memory_space<hbm>> -> memref<512xi32, #tpu.memory_space<hbm>>
      %dma_start3A_698 = tpu.memref_slice %arg3[%mul3A_2] : memref<16384xi32, #tpu.memory_space<hbm>> -> memref<512xi32, #tpu.memory_space<hbm>>
      tpu.enqueue_dma source(%dma_start3A_698 : memref<512xi32, #tpu.memory_space<hbm>>) target(%arg7 : memref<512xi32, #tpu.memory_space<vmem>>) target_semaphore(%run_scoped3A : memref<!tpu.dma_semaphore, #tpu.memory_space<semaphore_mem>>)
      %dma_wait3A_699 = tpu.memref_slice %arg3[%mul3A_2] : memref<16384xi32, #tpu.memory_space<hbm>> -> memref<512xi32, #tpu.memory_space<hbm>>
      %dma_wait3A_700 = tpu.memref_slice %arg3[%mul3A_2] : memref<16384xi32, #tpu.memory_space<hbm>> -> memref<512xi32, #tpu.memory_space<hbm>>
      tpu.wait_dma2 semaphore(%run_scoped3A : memref<!tpu.dma_semaphore, #tpu.memory_space<semaphore_mem>>) src(%dma_wait3A_700 : memref<512xi32, #tpu.memory_space<hbm>>) dst(%arg7 : memref<512xi32, #tpu.memory_space<vmem>>)
      tpu.yield
    }) : () -> ()
    %dma_start3A = tpu.memref_slice %arg2[%mul3A_2] : memref<16384xf32, #tpu.memory_space<hbm>> -> memref<512xf32, #tpu.memory_space<hbm>>
    %dma_start3A_3 = tpu.memref_slice %arg2[%mul3A_2] : memref<16384xf32, #tpu.memory_space<hbm>> -> memref<512xf32, #tpu.memory_space<hbm>>
    tpu.enqueue_dma source(%dma_start3A_3 : memref<512xf32, #tpu.memory_space<hbm>>) target(%arg8 : memref<512xf32, #tpu.memory_space<vmem>>) target_semaphore(%arg16 : memref<!tpu.dma_semaphore, #tpu.memory_space<semaphore_mem>>)
    %dma_start3A_4 = arith.constant 0 : i32
    %dma_start3A_5 = tpu.memref_slice %arg9[%dma_start3A_4] : memref<512xf32, #tpu.memory_space<vmem>> -> memref<128xf32, #tpu.memory_space<vmem>>
    %dma_start3A_6 = arith.constant 0 : i32
    %dma_start3A_7 = tpu.memref_slice %arg7[%dma_start3A_6] : memref<512xi32, #tpu.memory_space<vmem>> -> memref<128xi32, #tpu.memory_space<vmem>>
    %dma_start3A_8 = arith.constant 0 : i32
    %dma_start3A_9 = tpu.memref_slice %arg4[%dma_start3A_8] : memref<1000000xf32, #tpu.memory_space<hbm>> -> memref<1000000xf32, #tpu.memory_space<hbm>>
    tpu.enqueue_indirect_dma source(%dma_start3A_9 : memref<1000000xf32, #tpu.memory_space<hbm>>) target(%dma_start3A_5 : memref<128xf32, #tpu.memory_space<vmem>>) offsets(%dma_start3A_7 : memref<128xi32, #tpu.memory_space<vmem>>) semaphore(%arg12 : memref<!tpu.dma_semaphore, #tpu.memory_space<semaphore_mem>>)
    %dma_start3A_10 = arith.constant 0 : i32
    %dma_start3A_11 = tpu.memref_slice %arg10[%dma_start3A_10] : memref<512xf32, #tpu.memory_space<vmem>> -> memref<128xf32, #tpu.memory_space<vmem>>
    %dma_start3A_12 = arith.constant 0 : i32
    %dma_start3A_13 = tpu.memref_slice %arg7[%dma_start3A_12] : memref<512xi32, #tpu.memory_space<vmem>> -> memref<128xi32, #tpu.memory_space<vmem>>
    %dma_start3A_14 = arith.constant 0 : i32
    %dma_start3A_15 = tpu.memref_slice %arg5[%dma_start3A_14] : memref<1000000xf32, #tpu.memory_space<hbm>> -> memref<1000000xf32, #tpu.memory_space<hbm>>
    tpu.enqueue_indirect_dma source(%dma_start3A_15 : memref<1000000xf32, #tpu.memory_space<hbm>>) target(%dma_start3A_11 : memref<128xf32, #tpu.memory_space<vmem>>) offsets(%dma_start3A_13 : memref<128xi32, #tpu.memory_space<vmem>>) semaphore(%arg12 : memref<!tpu.dma_semaphore, #tpu.memory_space<semaphore_mem>>)
    %dma_start3A_16 = arith.constant 128 : i32
    %dma_start3A_17 = tpu.memref_slice %arg9[%dma_start3A_16] : memref<512xf32, #tpu.memory_space<vmem>> -> memref<128xf32, #tpu.memory_space<vmem>>
    %dma_start3A_18 = arith.constant 128 : i32
    %dma_start3A_19 = tpu.memref_slice %arg7[%dma_start3A_18] : memref<512xi32, #tpu.memory_space<vmem>> -> memref<128xi32, #tpu.memory_space<vmem>>
    %dma_start3A_20 = arith.constant 0 : i32
    %dma_start3A_21 = tpu.memref_slice %arg4[%dma_start3A_20] : memref<1000000xf32, #tpu.memory_space<hbm>> -> memref<1000000xf32, #tpu.memory_space<hbm>>
    tpu.enqueue_indirect_dma source(%dma_start3A_21 : memref<1000000xf32, #tpu.memory_space<hbm>>) target(%dma_start3A_17 : memref<128xf32, #tpu.memory_space<vmem>>) offsets(%dma_start3A_19 : memref<128xi32, #tpu.memory_space<vmem>>) semaphore(%arg13 : memref<!tpu.dma_semaphore, #tpu.memory_space<semaphore_mem>>)
    %dma_start3A_22 = arith.constant 128 : i32
    %dma_start3A_23 = tpu.memref_slice %arg10[%dma_start3A_22] : memref<512xf32, #tpu.memory_space<vmem>> -> memref<128xf32, #tpu.memory_space<vmem>>
    %dma_start3A_24 = arith.constant 128 : i32
    %dma_start3A_25 = tpu.memref_slice %arg7[%dma_start3A_24] : memref<512xi32, #tpu.memory_space<vmem>> -> memref<128xi32, #tpu.memory_space<vmem>>
    %dma_start3A_26 = arith.constant 0 : i32
    %dma_start3A_27 = tpu.memref_slice %arg5[%dma_start3A_26] : memref<1000000xf32, #tpu.memory_space<hbm>> -> memref<1000000xf32, #tpu.memory_space<hbm>>
    tpu.enqueue_indirect_dma source(%dma_start3A_27 : memref<1000000xf32, #tpu.memory_space<hbm>>) target(%dma_start3A_23 : memref<128xf32, #tpu.memory_space<vmem>>) offsets(%dma_start3A_25 : memref<128xi32, #tpu.memory_space<vmem>>) semaphore(%arg13 : memref<!tpu.dma_semaphore, #tpu.memory_space<semaphore_mem>>)
    %dma_start3A_28 = arith.constant 256 : i32
    %dma_start3A_29 = tpu.memref_slice %arg9[%dma_start3A_28] : memref<512xf32, #tpu.memory_space<vmem>> -> memref<128xf32, #tpu.memory_space<vmem>>
    %dma_start3A_30 = arith.constant 256 : i32
    %dma_start3A_31 = tpu.memref_slice %arg7[%dma_start3A_30] : memref<512xi32, #tpu.memory_space<vmem>> -> memref<128xi32, #tpu.memory_space<vmem>>
    %dma_start3A_32 = arith.constant 0 : i32
    %dma_start3A_33 = tpu.memref_slice %arg4[%dma_start3A_32] : memref<1000000xf32, #tpu.memory_space<hbm>> -> memref<1000000xf32, #tpu.memory_space<hbm>>
    tpu.enqueue_indirect_dma source(%dma_start3A_33 : memref<1000000xf32, #tpu.memory_space<hbm>>) target(%dma_start3A_29 : memref<128xf32, #tpu.memory_space<vmem>>) offsets(%dma_start3A_31 : memref<128xi32, #tpu.memory_space<vmem>>) semaphore(%arg14 : memref<!tpu.dma_semaphore, #tpu.memory_space<semaphore_mem>>)
    %dma_start3A_34 = arith.constant 256 : i32
    %dma_start3A_35 = tpu.memref_slice %arg10[%dma_start3A_34] : memref<512xf32, #tpu.memory_space<vmem>> -> memref<128xf32, #tpu.memory_space<vmem>>
    %dma_start3A_36 = arith.constant 256 : i32
    %dma_start3A_37 = tpu.memref_slice %arg7[%dma_start3A_36] : memref<512xi32, #tpu.memory_space<vmem>> -> memref<128xi32, #tpu.memory_space<vmem>>
    %dma_start3A_38 = arith.constant 0 : i32
    %dma_start3A_39 = tpu.memref_slice %arg5[%dma_start3A_38] : memref<1000000xf32, #tpu.memory_space<hbm>> -> memref<1000000xf32, #tpu.memory_space<hbm>>
    tpu.enqueue_indirect_dma source(%dma_start3A_39 : memref<1000000xf32, #tpu.memory_space<hbm>>) target(%dma_start3A_35 : memref<128xf32, #tpu.memory_space<vmem>>) offsets(%dma_start3A_37 : memref<128xi32, #tpu.memory_space<vmem>>) semaphore(%arg14 : memref<!tpu.dma_semaphore, #tpu.memory_space<semaphore_mem>>)
    %dma_start3A_40 = arith.constant 384 : i32
    %dma_start3A_41 = tpu.memref_slice %arg9[%dma_start3A_40] : memref<512xf32, #tpu.memory_space<vmem>> -> memref<128xf32, #tpu.memory_space<vmem>>
    %dma_start3A_42 = arith.constant 384 : i32
    %dma_start3A_43 = tpu.memref_slice %arg7[%dma_start3A_42] : memref<512xi32, #tpu.memory_space<vmem>> -> memref<128xi32, #tpu.memory_space<vmem>>
    %dma_start3A_44 = arith.constant 0 : i32
    %dma_start3A_45 = tpu.memref_slice %arg4[%dma_start3A_44] : memref<1000000xf32, #tpu.memory_space<hbm>> -> memref<1000000xf32, #tpu.memory_space<hbm>>
    tpu.enqueue_indirect_dma source(%dma_start3A_45 : memref<1000000xf32, #tpu.memory_space<hbm>>) target(%dma_start3A_41 : memref<128xf32, #tpu.memory_space<vmem>>) offsets(%dma_start3A_43 : memref<128xi32, #tpu.memory_space<vmem>>) semaphore(%arg15 : memref<!tpu.dma_semaphore, #tpu.memory_space<semaphore_mem>>)
    %dma_start3A_46 = arith.constant 384 : i32
    %dma_start3A_47 = tpu.memref_slice %arg10[%dma_start3A_46] : memref<512xf32, #tpu.memory_space<vmem>> -> memref<128xf32, #tpu.memory_space<vmem>>
    %dma_start3A_48 = arith.constant 384 : i32
    %dma_start3A_49 = tpu.memref_slice %arg7[%dma_start3A_48] : memref<512xi32, #tpu.memory_space<vmem>> -> memref<128xi32, #tpu.memory_space<vmem>>
    %dma_start3A_50 = arith.constant 0 : i32
    %dma_start3A_51 = tpu.memref_slice %arg5[%dma_start3A_50] : memref<1000000xf32, #tpu.memory_space<hbm>> -> memref<1000000xf32, #tpu.memory_space<hbm>>
    tpu.enqueue_indirect_dma source(%dma_start3A_51 : memref<1000000xf32, #tpu.memory_space<hbm>>) target(%dma_start3A_47 : memref<128xf32, #tpu.memory_space<vmem>>) offsets(%dma_start3A_49 : memref<128xi32, #tpu.memory_space<vmem>>) semaphore(%arg15 : memref<!tpu.dma_semaphore, #tpu.memory_space<semaphore_mem>>)
    %dma_wait3A = tpu.memref_slice %arg2[%mul3A_2] : memref<16384xf32, #tpu.memory_space<hbm>> -> memref<512xf32, #tpu.memory_space<hbm>>
    %dma_wait3A_52 = tpu.memref_slice %arg2[%mul3A_2] : memref<16384xf32, #tpu.memory_space<hbm>> -> memref<512xf32, #tpu.memory_space<hbm>>
    tpu.wait_dma2 semaphore(%arg16 : memref<!tpu.dma_semaphore, #tpu.memory_space<semaphore_mem>>) src(%dma_wait3A_52 : memref<512xf32, #tpu.memory_space<hbm>>) dst(%arg8 : memref<512xf32, #tpu.memory_space<vmem>>)
    %dma_wait3A_53 = arith.constant 0 : i32
    %dma_wait3A_54 = tpu.memref_slice %arg9[%dma_wait3A_53] : memref<512xf32, #tpu.memory_space<vmem>> -> memref<128xf32, #tpu.memory_space<vmem>>
    %dma_wait3A_55 = arith.constant 0 : i32
    %dma_wait3A_56 = tpu.memref_slice %arg7[%dma_wait3A_55] : memref<512xi32, #tpu.memory_space<vmem>> -> memref<128xi32, #tpu.memory_space<vmem>>
    %dma_wait3A_57 = arith.constant 0 : i32
    %dma_wait3A_58 = tpu.memref_slice %arg4[%dma_wait3A_57] : memref<1000000xf32, #tpu.memory_space<hbm>> -> memref<1000000xf32, #tpu.memory_space<hbm>>
    tpu.wait_indirect_dma semaphore(%arg12 : memref<!tpu.dma_semaphore, #tpu.memory_space<semaphore_mem>>) src(%dma_wait3A_58 : memref<1000000xf32, #tpu.memory_space<hbm>>) dst(%dma_wait3A_54 : memref<128xf32, #tpu.memory_space<vmem>>)
    %dma_wait3A_59 = arith.constant 0 : i32
    %dma_wait3A_60 = tpu.memref_slice %arg10[%dma_wait3A_59] : memref<512xf32, #tpu.memory_space<vmem>> -> memref<128xf32, #tpu.memory_space<vmem>>
    %dma_wait3A_61 = arith.constant 0 : i32
    %dma_wait3A_62 = tpu.memref_slice %arg7[%dma_wait3A_61] : memref<512xi32, #tpu.memory_space<vmem>> -> memref<128xi32, #tpu.memory_space<vmem>>
    %dma_wait3A_63 = arith.constant 0 : i32
    %dma_wait3A_64 = tpu.memref_slice %arg5[%dma_wait3A_63] : memref<1000000xf32, #tpu.memory_space<hbm>> -> memref<1000000xf32, #tpu.memory_space<hbm>>
    tpu.wait_indirect_dma semaphore(%arg12 : memref<!tpu.dma_semaphore, #tpu.memory_space<semaphore_mem>>) src(%dma_wait3A_64 : memref<1000000xf32, #tpu.memory_space<hbm>>) dst(%dma_wait3A_60 : memref<128xf32, #tpu.memory_space<vmem>>)
    %get3A = arith.constant 0 : index
    %get3A_65 = tpu.vector_load %arg10[%get3A] {strides = array<i32>} : memref<512xf32, #tpu.memory_space<vmem>>, vector<16xf32>,
    %get3A_66 = vector.shape_cast %get3A_65 : vector<16xf32> to vector<16xf32>
    %abs3A = math.absf %get3A_66 : vector<16xf32>
    %get3A_67 = arith.constant 0 : index
    %get3A_68 = tpu.vector_load %arg9[%get3A_67] {strides = array<i32>} : memref<512xf32, #tpu.memory_space<vmem>>, vector<16xf32>,
    %get3A_69 = vector.shape_cast %get3A_68 : vector<16xf32> to vector<16xf32>
    %abs3A_70 = math.absf %get3A_69 : vector<16xf32>
    %get3A_71 = arith.constant 0 : index
    %get3A_72 = tpu.vector_load %arg8[%get3A_71] {strides = array<i32>} : memref<512xf32, #tpu.memory_space<vmem>>, vector<16xf32>,
    %get3A_73 = vector.shape_cast %get3A_72 : vector<16xf32> to vector<16xf32>
    %mul3A_74 = arith.mulf %abs3A_70, %get3A_73 : vector<16xf32>
    %sub3A = arith.subf %abs3A, %mul3A_74 : vector<16xf32>
    %swap3A = arith.constant 0 : index
    %swap3A_75 = tpu.vector_load %arg11[%swap3A] {strides = array<i32>} : memref<512xf32, #tpu.memory_space<vmem>>, vector<16xf32>,
    %swap3A_76 = vector.shape_cast %swap3A_75 : vector<16xf32> to vector<16xf32>
    %swap3A_77 = vector.shape_cast %sub3A : vector<16xf32> to vector<16xf32>
    tpu.vector_store %arg11[%swap3A], %swap3A_77 {strides = array<i32>} : memref<512xf32, #tpu.memory_space<vmem>>, vector<16xf32>,
    %get3A_78 = arith.constant 16 : index
    %get3A_79 = tpu.vector_load %arg10[%get3A_78] {strides = array<i32>} : memref<512xf32, #tpu.memory_space<vmem>>, vector<16xf32>,
    %get3A_80 = vector.shape_cast %get3A_79 : vector<16xf32> to vector<16xf32>
    %abs3A_81 = math.absf %get3A_80 : vector<16xf32>
    %get3A_82 = arith.constant 16 : index
    %get3A_83 = tpu.vector_load %arg9[%get3A_82] {strides = array<i32>} : memref<512xf32, #tpu.memory_space<vmem>>, vector<16xf32>,
    %get3A_84 = vector.shape_cast %get3A_83 : vector<16xf32> to vector<16xf32>
    %abs3A_85 = math.absf %get3A_84 : vector<16xf32>
    %get3A_86 = arith.constant 16 : index
    %get3A_87 = tpu.vector_load %arg8[%get3A_86] {strides = array<i32>} : memref<512xf32, #tpu.memory_space<vmem>>, vector<16xf32>,
    %get3A_88 = vector.shape_cast %get3A_87 : vector<16xf32> to vector<16xf32>
    %mul3A_89 = arith.mulf %abs3A_85, %get3A_88 : vector<16xf32>
    %sub3A_90 = arith.subf %abs3A_81, %mul3A_89 : vector<16xf32>
    %swap3A_91 = arith.constant 16 : index
    %swap3A_92 = tpu.vector_load %arg11[%swap3A_91] {strides = array<i32>} : memref<512xf32, #tpu.memory_space<vmem>>, vector<16xf32>,
    %swap3A_93 = vector.shape_cast %swap3A_92 : vector<16xf32> to vector<16xf32>
    %swap3A_94 = vector.shape_cast %sub3A_90 : vector<16xf32> to vector<16xf32>
    tpu.vector_store %arg11[%swap3A_91], %swap3A_94 {strides = array<i32>} : memref<512xf32, #tpu.memory_space<vmem>>, vector<16xf32>,
    %get3A_95 = arith.constant 32 : index
    %get3A_96 = tpu.vector_load %arg10[%get3A_95] {strides = array<i32>} : memref<512xf32, #tpu.memory_space<vmem>>, vector<16xf32>,
    %get3A_97 = vector.shape_cast %get3A_96 : vector<16xf32> to vector<16xf32>
    %abs3A_98 = math.absf %get3A_97 : vector<16xf32>
    %get3A_99 = arith.constant 32 : index
    %get3A_100 = tpu.vector_load %arg9[%get3A_99] {strides = array<i32>} : memref<512xf32, #tpu.memory_space<vmem>>, vector<16xf32>,
    %get3A_101 = vector.shape_cast %get3A_100 : vector<16xf32> to vector<16xf32>
    %abs3A_102 = math.absf %get3A_101 : vector<16xf32>
    %get3A_103 = arith.constant 32 : index
    %get3A_104 = tpu.vector_load %arg8[%get3A_103] {strides = array<i32>} : memref<512xf32, #tpu.memory_space<vmem>>, vector<16xf32>,
    %get3A_105 = vector.shape_cast %get3A_104 : vector<16xf32> to vector<16xf32>
    %mul3A_106 = arith.mulf %abs3A_102, %get3A_105 : vector<16xf32>
    %sub3A_107 = arith.subf %abs3A_98, %mul3A_106 : vector<16xf32>
    %swap3A_108 = arith.constant 32 : index
    %swap3A_109 = tpu.vector_load %arg11[%swap3A_108] {strides = array<i32>} : memref<512xf32, #tpu.memory_space<vmem>>, vector<16xf32>,
    %swap3A_110 = vector.shape_cast %swap3A_109 : vector<16xf32> to vector<16xf32>
    %swap3A_111 = vector.shape_cast %sub3A_107 : vector<16xf32> to vector<16xf32>
    tpu.vector_store %arg11[%swap3A_108], %swap3A_111 {strides = array<i32>} : memref<512xf32, #tpu.memory_space<vmem>>, vector<16xf32>,
    %get3A_112 = arith.constant 48 : index
    %get3A_113 = tpu.vector_load %arg10[%get3A_112] {strides = array<i32>} : memref<512xf32, #tpu.memory_space<vmem>>, vector<16xf32>,
    %get3A_114 = vector.shape_cast %get3A_113 : vector<16xf32> to vector<16xf32>
    %abs3A_115 = math.absf %get3A_114 : vector<16xf32>
    %get3A_116 = arith.constant 48 : index
    %get3A_117 = tpu.vector_load %arg9[%get3A_116] {strides = array<i32>} : memref<512xf32, #tpu.memory_space<vmem>>, vector<16xf32>,
    %get3A_118 = vector.shape_cast %get3A_117 : vector<16xf32> to vector<16xf32>
    %abs3A_119 = math.absf %get3A_118 : vector<16xf32>
    %get3A_120 = arith.constant 48 : index
    %get3A_121 = tpu.vector_load %arg8[%get3A_120] {strides = array<i32>} : memref<512xf32, #tpu.memory_space<vmem>>, vector<16xf32>,
    %get3A_122 = vector.shape_cast %get3A_121 : vector<16xf32> to vector<16xf32>
    %mul3A_123 = arith.mulf %abs3A_119, %get3A_122 : vector<16xf32>
    %sub3A_124 = arith.subf %abs3A_115, %mul3A_123 : vector<16xf32>
    %swap3A_125 = arith.constant 48 : index
    %swap3A_126 = tpu.vector_load %arg11[%swap3A_125] {strides = array<i32>} : memref<512xf32, #tpu.memory_space<vmem>>, vector<16xf32>,
    %swap3A_127 = vector.shape_cast %swap3A_126 : vector<16xf32> to vector<16xf32>
    %swap3A_128 = vector.shape_cast %sub3A_124 : vector<16xf32> to vector<16xf32>
    tpu.vector_store %arg11[%swap3A_125], %swap3A_128 {strides = array<i32>} : memref<512xf32, #tpu.memory_space<vmem>>, vector<16xf32>,
    %get3A_129 = arith.constant 64 : index
    %get3A_130 = tpu.vector_load %arg10[%get3A_129] {strides = array<i32>} : memref<512xf32, #tpu.memory_space<vmem>>, vector<16xf32>,
    %get3A_131 = vector.shape_cast %get3A_130 : vector<16xf32> to vector<16xf32>
    %abs3A_132 = math.absf %get3A_131 : vector<16xf32>
    %get3A_133 = arith.constant 64 : index
    %get3A_134 = tpu.vector_load %arg9[%get3A_133] {strides = array<i32>} : memref<512xf32, #tpu.memory_space<vmem>>, vector<16xf32>,
    %get3A_135 = vector.shape_cast %get3A_134 : vector<16xf32> to vector<16xf32>
    %abs3A_136 = math.absf %get3A_135 : vector<16xf32>
    %get3A_137 = arith.constant 64 : index
    %get3A_138 = tpu.vector_load %arg8[%get3A_137] {strides = array<i32>} : memref<512xf32, #tpu.memory_space<vmem>>, vector<16xf32>,
    %get3A_139 = vector.shape_cast %get3A_138 : vector<16xf32> to vector<16xf32>
    %mul3A_140 = arith.mulf %abs3A_136, %get3A_139 : vector<16xf32>
    %sub3A_141 = arith.subf %abs3A_132, %mul3A_140 : vector<16xf32>
    %swap3A_142 = arith.constant 64 : index
    %swap3A_143 = tpu.vector_load %arg11[%swap3A_142] {strides = array<i32>} : memref<512xf32, #tpu.memory_space<vmem>>, vector<16xf32>,
    %swap3A_144 = vector.shape_cast %swap3A_143 : vector<16xf32> to vector<16xf32>
    %swap3A_145 = vector.shape_cast %sub3A_141 : vector<16xf32> to vector<16xf32>
    tpu.vector_store %arg11[%swap3A_142], %swap3A_145 {strides = array<i32>} : memref<512xf32, #tpu.memory_space<vmem>>, vector<16xf32>,
    %get3A_146 = arith.constant 80 : index
    %get3A_147 = tpu.vector_load %arg10[%get3A_146] {strides = array<i32>} : memref<512xf32, #tpu.memory_space<vmem>>, vector<16xf32>,
    %get3A_148 = vector.shape_cast %get3A_147 : vector<16xf32> to vector<16xf32>
    %abs3A_149 = math.absf %get3A_148 : vector<16xf32>
    %get3A_150 = arith.constant 80 : index
    %get3A_151 = tpu.vector_load %arg9[%get3A_150] {strides = array<i32>} : memref<512xf32, #tpu.memory_space<vmem>>, vector<16xf32>,
    %get3A_152 = vector.shape_cast %get3A_151 : vector<16xf32> to vector<16xf32>
    %abs3A_153 = math.absf %get3A_152 : vector<16xf32>
    %get3A_154 = arith.constant 80 : index
    %get3A_155 = tpu.vector_load %arg8[%get3A_154] {strides = array<i32>} : memref<512xf32, #tpu.memory_space<vmem>>, vector<16xf32>,
    %get3A_156 = vector.shape_cast %get3A_155 : vector<16xf32> to vector<16xf32>
    %mul3A_157 = arith.mulf %abs3A_153, %get3A_156 : vector<16xf32>
    %sub3A_158 = arith.subf %abs3A_149, %mul3A_157 : vector<16xf32>
    %swap3A_159 = arith.constant 80 : index
    %swap3A_160 = tpu.vector_load %arg11[%swap3A_159] {strides = array<i32>} : memref<512xf32, #tpu.memory_space<vmem>>, vector<16xf32>,
    %swap3A_161 = vector.shape_cast %swap3A_160 : vector<16xf32> to vector<16xf32>
    %swap3A_162 = vector.shape_cast %sub3A_158 : vector<16xf32> to vector<16xf32>
    tpu.vector_store %arg11[%swap3A_159], %swap3A_162 {strides = array<i32>} : memref<512xf32, #tpu.memory_space<vmem>>, vector<16xf32>,
    %get3A_163 = arith.constant 96 : index
    %get3A_164 = tpu.vector_load %arg10[%get3A_163] {strides = array<i32>} : memref<512xf32, #tpu.memory_space<vmem>>, vector<16xf32>,
    %get3A_165 = vector.shape_cast %get3A_164 : vector<16xf32> to vector<16xf32>
    %abs3A_166 = math.absf %get3A_165 : vector<16xf32>
    %get3A_167 = arith.constant 96 : index
    %get3A_168 = tpu.vector_load %arg9[%get3A_167] {strides = array<i32>} : memref<512xf32, #tpu.memory_space<vmem>>, vector<16xf32>,
    %get3A_169 = vector.shape_cast %get3A_168 : vector<16xf32> to vector<16xf32>
    %abs3A_170 = math.absf %get3A_169 : vector<16xf32>
    %get3A_171 = arith.constant 96 : index
    %get3A_172 = tpu.vector_load %arg8[%get3A_171] {strides = array<i32>} : memref<512xf32, #tpu.memory_space<vmem>>, vector<16xf32>,
    %get3A_173 = vector.shape_cast %get3A_172 : vector<16xf32> to vector<16xf32>
    %mul3A_174 = arith.mulf %abs3A_170, %get3A_173 : vector<16xf32>
    %sub3A_175 = arith.subf %abs3A_166, %mul3A_174 : vector<16xf32>
    %swap3A_176 = arith.constant 96 : index
    %swap3A_177 = tpu.vector_load %arg11[%swap3A_176] {strides = array<i32>} : memref<512xf32, #tpu.memory_space<vmem>>, vector<16xf32>,
    %swap3A_178 = vector.shape_cast %swap3A_177 : vector<16xf32> to vector<16xf32>
    %swap3A_179 = vector.shape_cast %sub3A_175 : vector<16xf32> to vector<16xf32>
    tpu.vector_store %arg11[%swap3A_176], %swap3A_179 {strides = array<i32>} : memref<512xf32, #tpu.memory_space<vmem>>, vector<16xf32>,
    %get3A_180 = arith.constant 112 : index
    %get3A_181 = tpu.vector_load %arg10[%get3A_180] {strides = array<i32>} : memref<512xf32, #tpu.memory_space<vmem>>, vector<16xf32>,
    %get3A_182 = vector.shape_cast %get3A_181 : vector<16xf32> to vector<16xf32>
    %abs3A_183 = math.absf %get3A_182 : vector<16xf32>
    %get3A_184 = arith.constant 112 : index
    %get3A_185 = tpu.vector_load %arg9[%get3A_184] {strides = array<i32>} : memref<512xf32, #tpu.memory_space<vmem>>, vector<16xf32>,
    %get3A_186 = vector.shape_cast %get3A_185 : vector<16xf32> to vector<16xf32>
    %abs3A_187 = math.absf %get3A_186 : vector<16xf32>
    %get3A_188 = arith.constant 112 : index
    %get3A_189 = tpu.vector_load %arg8[%get3A_188] {strides = array<i32>} : memref<512xf32, #tpu.memory_space<vmem>>, vector<16xf32>,
    %get3A_190 = vector.shape_cast %get3A_189 : vector<16xf32> to vector<16xf32>
    %mul3A_191 = arith.mulf %abs3A_187, %get3A_190 : vector<16xf32>
    %sub3A_192 = arith.subf %abs3A_183, %mul3A_191 : vector<16xf32>
    %swap3A_193 = arith.constant 112 : index
    %swap3A_194 = tpu.vector_load %arg11[%swap3A_193] {strides = array<i32>} : memref<512xf32, #tpu.memory_space<vmem>>, vector<16xf32>,
    %swap3A_195 = vector.shape_cast %swap3A_194 : vector<16xf32> to vector<16xf32>
    %swap3A_196 = vector.shape_cast %sub3A_192 : vector<16xf32> to vector<16xf32>
    tpu.vector_store %arg11[%swap3A_193], %swap3A_196 {strides = array<i32>} : memref<512xf32, #tpu.memory_space<vmem>>, vector<16xf32>,
    %add3A_197 = arith.constant 0 : i32
    %add3A_198 = arith.addi %mul3A_2, %add3A_197 : i32
    %dma_start3A_199 = arith.constant 0 : i32
    %dma_start3A_200 = tpu.memref_slice %arg11[%dma_start3A_199] : memref<512xf32, #tpu.memory_space<vmem>> -> memref<128xf32, #tpu.memory_space<vmem>>
    %dma_start3A_201 = tpu.memref_slice %arg6[%add3A_198] : memref<16384xf32, #tpu.memory_space<hbm>> -> memref<128xf32, #tpu.memory_space<hbm>>
    %dma_start3A_202 = tpu.memref_slice %arg6[%add3A_198] : memref<16384xf32, #tpu.memory_space<hbm>> -> memref<128xf32, #tpu.memory_space<hbm>>
    %dma_start3A_203 = arith.constant 0 : i32
    %dma_start3A_204 = tpu.memref_slice %arg11[%dma_start3A_203] : memref<512xf32, #tpu.memory_space<vmem>> -> memref<128xf32, #tpu.memory_space<vmem>>
    tpu.enqueue_dma source(%dma_start3A_204 : memref<128xf32, #tpu.memory_space<vmem>>) target(%dma_start3A_202 : memref<128xf32, #tpu.memory_space<hbm>>) target_semaphore(%arg17 : memref<!tpu.dma_semaphore, #tpu.memory_space<semaphore_mem>>)
    %dma_wait3A_205 = arith.constant 128 : i32
    %dma_wait3A_206 = tpu.memref_slice %arg9[%dma_wait3A_205] : memref<512xf32, #tpu.memory_space<vmem>> -> memref<128xf32, #tpu.memory_space<vmem>>
    %dma_wait3A_207 = arith.constant 128 : i32
    %dma_wait3A_208 = tpu.memref_slice %arg7[%dma_wait3A_207] : memref<512xi32, #tpu.memory_space<vmem>> -> memref<128xi32, #tpu.memory_space<vmem>>
    %dma_wait3A_209 = arith.constant 0 : i32
    %dma_wait3A_210 = tpu.memref_slice %arg4[%dma_wait3A_209] : memref<1000000xf32, #tpu.memory_space<hbm>> -> memref<1000000xf32, #tpu.memory_space<hbm>>
    tpu.wait_indirect_dma semaphore(%arg13 : memref<!tpu.dma_semaphore, #tpu.memory_space<semaphore_mem>>) src(%dma_wait3A_210 : memref<1000000xf32, #tpu.memory_space<hbm>>) dst(%dma_wait3A_206 : memref<128xf32, #tpu.memory_space<vmem>>)
    %dma_wait3A_211 = arith.constant 128 : i32
    %dma_wait3A_212 = tpu.memref_slice %arg10[%dma_wait3A_211] : memref<512xf32, #tpu.memory_space<vmem>> -> memref<128xf32, #tpu.memory_space<vmem>>
    %dma_wait3A_213 = arith.constant 128 : i32
    %dma_wait3A_214 = tpu.memref_slice %arg7[%dma_wait3A_213] : memref<512xi32, #tpu.memory_space<vmem>> -> memref<128xi32, #tpu.memory_space<vmem>>
    %dma_wait3A_215 = arith.constant 0 : i32
    %dma_wait3A_216 = tpu.memref_slice %arg5[%dma_wait3A_215] : memref<1000000xf32, #tpu.memory_space<hbm>> -> memref<1000000xf32, #tpu.memory_space<hbm>>
    tpu.wait_indirect_dma semaphore(%arg13 : memref<!tpu.dma_semaphore, #tpu.memory_space<semaphore_mem>>) src(%dma_wait3A_216 : memref<1000000xf32, #tpu.memory_space<hbm>>) dst(%dma_wait3A_212 : memref<128xf32, #tpu.memory_space<vmem>>)
    %get3A_217 = arith.constant 128 : index
    %get3A_218 = tpu.vector_load %arg10[%get3A_217] {strides = array<i32>} : memref<512xf32, #tpu.memory_space<vmem>>, vector<16xf32>,
    %get3A_219 = vector.shape_cast %get3A_218 : vector<16xf32> to vector<16xf32>
    %abs3A_220 = math.absf %get3A_219 : vector<16xf32>
    %get3A_221 = arith.constant 128 : index
    %get3A_222 = tpu.vector_load %arg9[%get3A_221] {strides = array<i32>} : memref<512xf32, #tpu.memory_space<vmem>>, vector<16xf32>,
    %get3A_223 = vector.shape_cast %get3A_222 : vector<16xf32> to vector<16xf32>
    %abs3A_224 = math.absf %get3A_223 : vector<16xf32>
    %get3A_225 = arith.constant 128 : index
    %get3A_226 = tpu.vector_load %arg8[%get3A_225] {strides = array<i32>} : memref<512xf32, #tpu.memory_space<vmem>>, vector<16xf32>,
    %get3A_227 = vector.shape_cast %get3A_226 : vector<16xf32> to vector<16xf32>
    %mul3A_228 = arith.mulf %abs3A_224, %get3A_227 : vector<16xf32>
    %sub3A_229 = arith.subf %abs3A_220, %mul3A_228 : vector<16xf32>
    %swap3A_230 = arith.constant 128 : index
    %swap3A_231 = tpu.vector_load %arg11[%swap3A_230] {strides = array<i32>} : memref<512xf32, #tpu.memory_space<vmem>>, vector<16xf32>,
    %swap3A_232 = vector.shape_cast %swap3A_231 : vector<16xf32> to vector<16xf32>
    %swap3A_233 = vector.shape_cast %sub3A_229 : vector<16xf32> to vector<16xf32>
    tpu.vector_store %arg11[%swap3A_230], %swap3A_233 {strides = array<i32>} : memref<512xf32, #tpu.memory_space<vmem>>, vector<16xf32>,
    %get3A_234 = arith.constant 144 : index
    %get3A_235 = tpu.vector_load %arg10[%get3A_234] {strides = array<i32>} : memref<512xf32, #tpu.memory_space<vmem>>, vector<16xf32>,
    %get3A_236 = vector.shape_cast %get3A_235 : vector<16xf32> to vector<16xf32>
    %abs3A_237 = math.absf %get3A_236 : vector<16xf32>
    %get3A_238 = arith.constant 144 : index
    %get3A_239 = tpu.vector_load %arg9[%get3A_238] {strides = array<i32>} : memref<512xf32, #tpu.memory_space<vmem>>, vector<16xf32>,
    %get3A_240 = vector.shape_cast %get3A_239 : vector<16xf32> to vector<16xf32>
    %abs3A_241 = math.absf %get3A_240 : vector<16xf32>
    %get3A_242 = arith.constant 144 : index
    %get3A_243 = tpu.vector_load %arg8[%get3A_242] {strides = array<i32>} : memref<512xf32, #tpu.memory_space<vmem>>, vector<16xf32>,
    %get3A_244 = vector.shape_cast %get3A_243 : vector<16xf32> to vector<16xf32>
    %mul3A_245 = arith.mulf %abs3A_241, %get3A_244 : vector<16xf32>
    %sub3A_246 = arith.subf %abs3A_237, %mul3A_245 : vector<16xf32>
    %swap3A_247 = arith.constant 144 : index
    %swap3A_248 = tpu.vector_load %arg11[%swap3A_247] {strides = array<i32>} : memref<512xf32, #tpu.memory_space<vmem>>, vector<16xf32>,
    %swap3A_249 = vector.shape_cast %swap3A_248 : vector<16xf32> to vector<16xf32>
    %swap3A_250 = vector.shape_cast %sub3A_246 : vector<16xf32> to vector<16xf32>
    tpu.vector_store %arg11[%swap3A_247], %swap3A_250 {strides = array<i32>} : memref<512xf32, #tpu.memory_space<vmem>>, vector<16xf32>,
    %get3A_251 = arith.constant 160 : index
    %get3A_252 = tpu.vector_load %arg10[%get3A_251] {strides = array<i32>} : memref<512xf32, #tpu.memory_space<vmem>>, vector<16xf32>,
    %get3A_253 = vector.shape_cast %get3A_252 : vector<16xf32> to vector<16xf32>
    %abs3A_254 = math.absf %get3A_253 : vector<16xf32>
    %get3A_255 = arith.constant 160 : index
    %get3A_256 = tpu.vector_load %arg9[%get3A_255] {strides = array<i32>} : memref<512xf32, #tpu.memory_space<vmem>>, vector<16xf32>,
    %get3A_257 = vector.shape_cast %get3A_256 : vector<16xf32> to vector<16xf32>
    %abs3A_258 = math.absf %get3A_257 : vector<16xf32>
    %get3A_259 = arith.constant 160 : index
    %get3A_260 = tpu.vector_load %arg8[%get3A_259] {strides = array<i32>} : memref<512xf32, #tpu.memory_space<vmem>>, vector<16xf32>,
    %get3A_261 = vector.shape_cast %get3A_260 : vector<16xf32> to vector<16xf32>
    %mul3A_262 = arith.mulf %abs3A_258, %get3A_261 : vector<16xf32>
    %sub3A_263 = arith.subf %abs3A_254, %mul3A_262 : vector<16xf32>
    %swap3A_264 = arith.constant 160 : index
    %swap3A_265 = tpu.vector_load %arg11[%swap3A_264] {strides = array<i32>} : memref<512xf32, #tpu.memory_space<vmem>>, vector<16xf32>,
    %swap3A_266 = vector.shape_cast %swap3A_265 : vector<16xf32> to vector<16xf32>
    %swap3A_267 = vector.shape_cast %sub3A_263 : vector<16xf32> to vector<16xf32>
    tpu.vector_store %arg11[%swap3A_264], %swap3A_267 {strides = array<i32>} : memref<512xf32, #tpu.memory_space<vmem>>, vector<16xf32>,
    %get3A_268 = arith.constant 176 : index
    %get3A_269 = tpu.vector_load %arg10[%get3A_268] {strides = array<i32>} : memref<512xf32, #tpu.memory_space<vmem>>, vector<16xf32>,
    %get3A_270 = vector.shape_cast %get3A_269 : vector<16xf32> to vector<16xf32>
    %abs3A_271 = math.absf %get3A_270 : vector<16xf32>
    %get3A_272 = arith.constant 176 : index
    %get3A_273 = tpu.vector_load %arg9[%get3A_272] {strides = array<i32>} : memref<512xf32, #tpu.memory_space<vmem>>, vector<16xf32>,
    %get3A_274 = vector.shape_cast %get3A_273 : vector<16xf32> to vector<16xf32>
    %abs3A_275 = math.absf %get3A_274 : vector<16xf32>
    %get3A_276 = arith.constant 176 : index
    %get3A_277 = tpu.vector_load %arg8[%get3A_276] {strides = array<i32>} : memref<512xf32, #tpu.memory_space<vmem>>, vector<16xf32>,
    %get3A_278 = vector.shape_cast %get3A_277 : vector<16xf32> to vector<16xf32>
    %mul3A_279 = arith.mulf %abs3A_275, %get3A_278 : vector<16xf32>
    %sub3A_280 = arith.subf %abs3A_271, %mul3A_279 : vector<16xf32>
    %swap3A_281 = arith.constant 176 : index
    %swap3A_282 = tpu.vector_load %arg11[%swap3A_281] {strides = array<i32>} : memref<512xf32, #tpu.memory_space<vmem>>, vector<16xf32>,
    %swap3A_283 = vector.shape_cast %swap3A_282 : vector<16xf32> to vector<16xf32>
    %swap3A_284 = vector.shape_cast %sub3A_280 : vector<16xf32> to vector<16xf32>
    tpu.vector_store %arg11[%swap3A_281], %swap3A_284 {strides = array<i32>} : memref<512xf32, #tpu.memory_space<vmem>>, vector<16xf32>,
    %get3A_285 = arith.constant 192 : index
    %get3A_286 = tpu.vector_load %arg10[%get3A_285] {strides = array<i32>} : memref<512xf32, #tpu.memory_space<vmem>>, vector<16xf32>,
    %get3A_287 = vector.shape_cast %get3A_286 : vector<16xf32> to vector<16xf32>
    %abs3A_288 = math.absf %get3A_287 : vector<16xf32>
    %get3A_289 = arith.constant 192 : index
    %get3A_290 = tpu.vector_load %arg9[%get3A_289] {strides = array<i32>} : memref<512xf32, #tpu.memory_space<vmem>>, vector<16xf32>,
    %get3A_291 = vector.shape_cast %get3A_290 : vector<16xf32> to vector<16xf32>
    %abs3A_292 = math.absf %get3A_291 : vector<16xf32>
    %get3A_293 = arith.constant 192 : index
    %get3A_294 = tpu.vector_load %arg8[%get3A_293] {strides = array<i32>} : memref<512xf32, #tpu.memory_space<vmem>>, vector<16xf32>,
    %get3A_295 = vector.shape_cast %get3A_294 : vector<16xf32> to vector<16xf32>
    %mul3A_296 = arith.mulf %abs3A_292, %get3A_295 : vector<16xf32>
    %sub3A_297 = arith.subf %abs3A_288, %mul3A_296 : vector<16xf32>
    %swap3A_298 = arith.constant 192 : index
    %swap3A_299 = tpu.vector_load %arg11[%swap3A_298] {strides = array<i32>} : memref<512xf32, #tpu.memory_space<vmem>>, vector<16xf32>,
    %swap3A_300 = vector.shape_cast %swap3A_299 : vector<16xf32> to vector<16xf32>
    %swap3A_301 = vector.shape_cast %sub3A_297 : vector<16xf32> to vector<16xf32>
    tpu.vector_store %arg11[%swap3A_298], %swap3A_301 {strides = array<i32>} : memref<512xf32, #tpu.memory_space<vmem>>, vector<16xf32>,
    %get3A_302 = arith.constant 208 : index
    %get3A_303 = tpu.vector_load %arg10[%get3A_302] {strides = array<i32>} : memref<512xf32, #tpu.memory_space<vmem>>, vector<16xf32>,
    %get3A_304 = vector.shape_cast %get3A_303 : vector<16xf32> to vector<16xf32>
    %abs3A_305 = math.absf %get3A_304 : vector<16xf32>
    %get3A_306 = arith.constant 208 : index
    %get3A_307 = tpu.vector_load %arg9[%get3A_306] {strides = array<i32>} : memref<512xf32, #tpu.memory_space<vmem>>, vector<16xf32>,
    %get3A_308 = vector.shape_cast %get3A_307 : vector<16xf32> to vector<16xf32>
    %abs3A_309 = math.absf %get3A_308 : vector<16xf32>
    %get3A_310 = arith.constant 208 : index
    %get3A_311 = tpu.vector_load %arg8[%get3A_310] {strides = array<i32>} : memref<512xf32, #tpu.memory_space<vmem>>, vector<16xf32>,
    %get3A_312 = vector.shape_cast %get3A_311 : vector<16xf32> to vector<16xf32>
    %mul3A_313 = arith.mulf %abs3A_309, %get3A_312 : vector<16xf32>
    %sub3A_314 = arith.subf %abs3A_305, %mul3A_313 : vector<16xf32>
    %swap3A_315 = arith.constant 208 : index
    %swap3A_316 = tpu.vector_load %arg11[%swap3A_315] {strides = array<i32>} : memref<512xf32, #tpu.memory_space<vmem>>, vector<16xf32>,
    %swap3A_317 = vector.shape_cast %swap3A_316 : vector<16xf32> to vector<16xf32>
    %swap3A_318 = vector.shape_cast %sub3A_314 : vector<16xf32> to vector<16xf32>
    tpu.vector_store %arg11[%swap3A_315], %swap3A_318 {strides = array<i32>} : memref<512xf32, #tpu.memory_space<vmem>>, vector<16xf32>,
    %get3A_319 = arith.constant 224 : index
    %get3A_320 = tpu.vector_load %arg10[%get3A_319] {strides = array<i32>} : memref<512xf32, #tpu.memory_space<vmem>>, vector<16xf32>,
    %get3A_321 = vector.shape_cast %get3A_320 : vector<16xf32> to vector<16xf32>
    %abs3A_322 = math.absf %get3A_321 : vector<16xf32>
    %get3A_323 = arith.constant 224 : index
    %get3A_324 = tpu.vector_load %arg9[%get3A_323] {strides = array<i32>} : memref<512xf32, #tpu.memory_space<vmem>>, vector<16xf32>,
    %get3A_325 = vector.shape_cast %get3A_324 : vector<16xf32> to vector<16xf32>
    %abs3A_326 = math.absf %get3A_325 : vector<16xf32>
    %get3A_327 = arith.constant 224 : index
    %get3A_328 = tpu.vector_load %arg8[%get3A_327] {strides = array<i32>} : memref<512xf32, #tpu.memory_space<vmem>>, vector<16xf32>,
    %get3A_329 = vector.shape_cast %get3A_328 : vector<16xf32> to vector<16xf32>
    %mul3A_330 = arith.mulf %abs3A_326, %get3A_329 : vector<16xf32>
    %sub3A_331 = arith.subf %abs3A_322, %mul3A_330 : vector<16xf32>
    %swap3A_332 = arith.constant 224 : index
    %swap3A_333 = tpu.vector_load %arg11[%swap3A_332] {strides = array<i32>} : memref<512xf32, #tpu.memory_space<vmem>>, vector<16xf32>,
    %swap3A_334 = vector.shape_cast %swap3A_333 : vector<16xf32> to vector<16xf32>
    %swap3A_335 = vector.shape_cast %sub3A_331 : vector<16xf32> to vector<16xf32>
    tpu.vector_store %arg11[%swap3A_332], %swap3A_335 {strides = array<i32>} : memref<512xf32, #tpu.memory_space<vmem>>, vector<16xf32>,
    %get3A_336 = arith.constant 240 : index
    %get3A_337 = tpu.vector_load %arg10[%get3A_336] {strides = array<i32>} : memref<512xf32, #tpu.memory_space<vmem>>, vector<16xf32>,
    %get3A_338 = vector.shape_cast %get3A_337 : vector<16xf32> to vector<16xf32>
    %abs3A_339 = math.absf %get3A_338 : vector<16xf32>
    %get3A_340 = arith.constant 240 : index
    %get3A_341 = tpu.vector_load %arg9[%get3A_340] {strides = array<i32>} : memref<512xf32, #tpu.memory_space<vmem>>, vector<16xf32>,
    %get3A_342 = vector.shape_cast %get3A_341 : vector<16xf32> to vector<16xf32>
    %abs3A_343 = math.absf %get3A_342 : vector<16xf32>
    %get3A_344 = arith.constant 240 : index
    %get3A_345 = tpu.vector_load %arg8[%get3A_344] {strides = array<i32>} : memref<512xf32, #tpu.memory_space<vmem>>, vector<16xf32>,
    %get3A_346 = vector.shape_cast %get3A_345 : vector<16xf32> to vector<16xf32>
    %mul3A_347 = arith.mulf %abs3A_343, %get3A_346 : vector<16xf32>
    %sub3A_348 = arith.subf %abs3A_339, %mul3A_347 : vector<16xf32>
    %swap3A_349 = arith.constant 240 : index
    %swap3A_350 = tpu.vector_load %arg11[%swap3A_349] {strides = array<i32>} : memref<512xf32, #tpu.memory_space<vmem>>, vector<16xf32>,
    %swap3A_351 = vector.shape_cast %swap3A_350 : vector<16xf32> to vector<16xf32>
    %swap3A_352 = vector.shape_cast %sub3A_348 : vector<16xf32> to vector<16xf32>
    tpu.vector_store %arg11[%swap3A_349], %swap3A_352 {strides = array<i32>} : memref<512xf32, #tpu.memory_space<vmem>>, vector<16xf32>,
    %add3A_353 = arith.constant 128 : i32
    %add3A_354 = arith.addi %mul3A_2, %add3A_353 : i32
    %dma_start3A_355 = arith.constant 128 : i32
    %dma_start3A_356 = tpu.memref_slice %arg11[%dma_start3A_355] : memref<512xf32, #tpu.memory_space<vmem>> -> memref<128xf32, #tpu.memory_space<vmem>>
    %dma_start3A_357 = tpu.memref_slice %arg6[%add3A_354] : memref<16384xf32, #tpu.memory_space<hbm>> -> memref<128xf32, #tpu.memory_space<hbm>>
    %dma_start3A_358 = tpu.memref_slice %arg6[%add3A_354] : memref<16384xf32, #tpu.memory_space<hbm>> -> memref<128xf32, #tpu.memory_space<hbm>>
    %dma_start3A_359 = arith.constant 128 : i32
    %dma_start3A_360 = tpu.memref_slice %arg11[%dma_start3A_359] : memref<512xf32, #tpu.memory_space<vmem>> -> memref<128xf32, #tpu.memory_space<vmem>>
    tpu.enqueue_dma source(%dma_start3A_360 : memref<128xf32, #tpu.memory_space<vmem>>) target(%dma_start3A_358 : memref<128xf32, #tpu.memory_space<hbm>>) target_semaphore(%arg17 : memref<!tpu.dma_semaphore, #tpu.memory_space<semaphore_mem>>)
    %dma_wait3A_361 = arith.constant 256 : i32
    %dma_wait3A_362 = tpu.memref_slice %arg9[%dma_wait3A_361] : memref<512xf32, #tpu.memory_space<vmem>> -> memref<128xf32, #tpu.memory_space<vmem>>
    %dma_wait3A_363 = arith.constant 256 : i32
    %dma_wait3A_364 = tpu.memref_slice %arg7[%dma_wait3A_363] : memref<512xi32, #tpu.memory_space<vmem>> -> memref<128xi32, #tpu.memory_space<vmem>>
    %dma_wait3A_365 = arith.constant 0 : i32
    %dma_wait3A_366 = tpu.memref_slice %arg4[%dma_wait3A_365] : memref<1000000xf32, #tpu.memory_space<hbm>> -> memref<1000000xf32, #tpu.memory_space<hbm>>
    tpu.wait_indirect_dma semaphore(%arg14 : memref<!tpu.dma_semaphore, #tpu.memory_space<semaphore_mem>>) src(%dma_wait3A_366 : memref<1000000xf32, #tpu.memory_space<hbm>>) dst(%dma_wait3A_362 : memref<128xf32, #tpu.memory_space<vmem>>)
    %dma_wait3A_367 = arith.constant 256 : i32
    %dma_wait3A_368 = tpu.memref_slice %arg10[%dma_wait3A_367] : memref<512xf32, #tpu.memory_space<vmem>> -> memref<128xf32, #tpu.memory_space<vmem>>
    %dma_wait3A_369 = arith.constant 256 : i32
    %dma_wait3A_370 = tpu.memref_slice %arg7[%dma_wait3A_369] : memref<512xi32, #tpu.memory_space<vmem>> -> memref<128xi32, #tpu.memory_space<vmem>>
    %dma_wait3A_371 = arith.constant 0 : i32
    %dma_wait3A_372 = tpu.memref_slice %arg5[%dma_wait3A_371] : memref<1000000xf32, #tpu.memory_space<hbm>> -> memref<1000000xf32, #tpu.memory_space<hbm>>
    tpu.wait_indirect_dma semaphore(%arg14 : memref<!tpu.dma_semaphore, #tpu.memory_space<semaphore_mem>>) src(%dma_wait3A_372 : memref<1000000xf32, #tpu.memory_space<hbm>>) dst(%dma_wait3A_368 : memref<128xf32, #tpu.memory_space<vmem>>)
    %get3A_373 = arith.constant 256 : index
    %get3A_374 = tpu.vector_load %arg10[%get3A_373] {strides = array<i32>} : memref<512xf32, #tpu.memory_space<vmem>>, vector<16xf32>,
    %get3A_375 = vector.shape_cast %get3A_374 : vector<16xf32> to vector<16xf32>
    %abs3A_376 = math.absf %get3A_375 : vector<16xf32>
    %get3A_377 = arith.constant 256 : index
    %get3A_378 = tpu.vector_load %arg9[%get3A_377] {strides = array<i32>} : memref<512xf32, #tpu.memory_space<vmem>>, vector<16xf32>,
    %get3A_379 = vector.shape_cast %get3A_378 : vector<16xf32> to vector<16xf32>
    %abs3A_380 = math.absf %get3A_379 : vector<16xf32>
    %get3A_381 = arith.constant 256 : index
    %get3A_382 = tpu.vector_load %arg8[%get3A_381] {strides = array<i32>} : memref<512xf32, #tpu.memory_space<vmem>>, vector<16xf32>,
    %get3A_383 = vector.shape_cast %get3A_382 : vector<16xf32> to vector<16xf32>
    %mul3A_384 = arith.mulf %abs3A_380, %get3A_383 : vector<16xf32>
    %sub3A_385 = arith.subf %abs3A_376, %mul3A_384 : vector<16xf32>
    %swap3A_386 = arith.constant 256 : index
    %swap3A_387 = tpu.vector_load %arg11[%swap3A_386] {strides = array<i32>} : memref<512xf32, #tpu.memory_space<vmem>>, vector<16xf32>,
    %swap3A_388 = vector.shape_cast %swap3A_387 : vector<16xf32> to vector<16xf32>
    %swap3A_389 = vector.shape_cast %sub3A_385 : vector<16xf32> to vector<16xf32>
    tpu.vector_store %arg11[%swap3A_386], %swap3A_389 {strides = array<i32>} : memref<512xf32, #tpu.memory_space<vmem>>, vector<16xf32>,
    %get3A_390 = arith.constant 272 : index
    %get3A_391 = tpu.vector_load %arg10[%get3A_390] {strides = array<i32>} : memref<512xf32, #tpu.memory_space<vmem>>, vector<16xf32>,
    %get3A_392 = vector.shape_cast %get3A_391 : vector<16xf32> to vector<16xf32>
    %abs3A_393 = math.absf %get3A_392 : vector<16xf32>
    %get3A_394 = arith.constant 272 : index
    %get3A_395 = tpu.vector_load %arg9[%get3A_394] {strides = array<i32>} : memref<512xf32, #tpu.memory_space<vmem>>, vector<16xf32>,
    %get3A_396 = vector.shape_cast %get3A_395 : vector<16xf32> to vector<16xf32>
    %abs3A_397 = math.absf %get3A_396 : vector<16xf32>
    %get3A_398 = arith.constant 272 : index
    %get3A_399 = tpu.vector_load %arg8[%get3A_398] {strides = array<i32>} : memref<512xf32, #tpu.memory_space<vmem>>, vector<16xf32>,
    %get3A_400 = vector.shape_cast %get3A_399 : vector<16xf32> to vector<16xf32>
    %mul3A_401 = arith.mulf %abs3A_397, %get3A_400 : vector<16xf32>
    %sub3A_402 = arith.subf %abs3A_393, %mul3A_401 : vector<16xf32>
    %swap3A_403 = arith.constant 272 : index
    %swap3A_404 = tpu.vector_load %arg11[%swap3A_403] {strides = array<i32>} : memref<512xf32, #tpu.memory_space<vmem>>, vector<16xf32>,
    %swap3A_405 = vector.shape_cast %swap3A_404 : vector<16xf32> to vector<16xf32>
    %swap3A_406 = vector.shape_cast %sub3A_402 : vector<16xf32> to vector<16xf32>
    tpu.vector_store %arg11[%swap3A_403], %swap3A_406 {strides = array<i32>} : memref<512xf32, #tpu.memory_space<vmem>>, vector<16xf32>,
    %get3A_407 = arith.constant 288 : index
    %get3A_408 = tpu.vector_load %arg10[%get3A_407] {strides = array<i32>} : memref<512xf32, #tpu.memory_space<vmem>>, vector<16xf32>,
    %get3A_409 = vector.shape_cast %get3A_408 : vector<16xf32> to vector<16xf32>
    %abs3A_410 = math.absf %get3A_409 : vector<16xf32>
    %get3A_411 = arith.constant 288 : index
    %get3A_412 = tpu.vector_load %arg9[%get3A_411] {strides = array<i32>} : memref<512xf32, #tpu.memory_space<vmem>>, vector<16xf32>,
    %get3A_413 = vector.shape_cast %get3A_412 : vector<16xf32> to vector<16xf32>
    %abs3A_414 = math.absf %get3A_413 : vector<16xf32>
    %get3A_415 = arith.constant 288 : index
    %get3A_416 = tpu.vector_load %arg8[%get3A_415] {strides = array<i32>} : memref<512xf32, #tpu.memory_space<vmem>>, vector<16xf32>,
    %get3A_417 = vector.shape_cast %get3A_416 : vector<16xf32> to vector<16xf32>
    %mul3A_418 = arith.mulf %abs3A_414, %get3A_417 : vector<16xf32>
    %sub3A_419 = arith.subf %abs3A_410, %mul3A_418 : vector<16xf32>
    %swap3A_420 = arith.constant 288 : index
    %swap3A_421 = tpu.vector_load %arg11[%swap3A_420] {strides = array<i32>} : memref<512xf32, #tpu.memory_space<vmem>>, vector<16xf32>,
    %swap3A_422 = vector.shape_cast %swap3A_421 : vector<16xf32> to vector<16xf32>
    %swap3A_423 = vector.shape_cast %sub3A_419 : vector<16xf32> to vector<16xf32>
    tpu.vector_store %arg11[%swap3A_420], %swap3A_423 {strides = array<i32>} : memref<512xf32, #tpu.memory_space<vmem>>, vector<16xf32>,
    %get3A_424 = arith.constant 304 : index
    %get3A_425 = tpu.vector_load %arg10[%get3A_424] {strides = array<i32>} : memref<512xf32, #tpu.memory_space<vmem>>, vector<16xf32>,
    %get3A_426 = vector.shape_cast %get3A_425 : vector<16xf32> to vector<16xf32>
    %abs3A_427 = math.absf %get3A_426 : vector<16xf32>
    %get3A_428 = arith.constant 304 : index
    %get3A_429 = tpu.vector_load %arg9[%get3A_428] {strides = array<i32>} : memref<512xf32, #tpu.memory_space<vmem>>, vector<16xf32>,
    %get3A_430 = vector.shape_cast %get3A_429 : vector<16xf32> to vector<16xf32>
    %abs3A_431 = math.absf %get3A_430 : vector<16xf32>
    %get3A_432 = arith.constant 304 : index
    %get3A_433 = tpu.vector_load %arg8[%get3A_432] {strides = array<i32>} : memref<512xf32, #tpu.memory_space<vmem>>, vector<16xf32>,
    %get3A_434 = vector.shape_cast %get3A_433 : vector<16xf32> to vector<16xf32>
    %mul3A_435 = arith.mulf %abs3A_431, %get3A_434 : vector<16xf32>
    %sub3A_436 = arith.subf %abs3A_427, %mul3A_435 : vector<16xf32>
    %swap3A_437 = arith.constant 304 : index
    %swap3A_438 = tpu.vector_load %arg11[%swap3A_437] {strides = array<i32>} : memref<512xf32, #tpu.memory_space<vmem>>, vector<16xf32>,
    %swap3A_439 = vector.shape_cast %swap3A_438 : vector<16xf32> to vector<16xf32>
    %swap3A_440 = vector.shape_cast %sub3A_436 : vector<16xf32> to vector<16xf32>
    tpu.vector_store %arg11[%swap3A_437], %swap3A_440 {strides = array<i32>} : memref<512xf32, #tpu.memory_space<vmem>>, vector<16xf32>,
    %get3A_441 = arith.constant 320 : index
    %get3A_442 = tpu.vector_load %arg10[%get3A_441] {strides = array<i32>} : memref<512xf32, #tpu.memory_space<vmem>>, vector<16xf32>,
    %get3A_443 = vector.shape_cast %get3A_442 : vector<16xf32> to vector<16xf32>
    %abs3A_444 = math.absf %get3A_443 : vector<16xf32>
    %get3A_445 = arith.constant 320 : index
    %get3A_446 = tpu.vector_load %arg9[%get3A_445] {strides = array<i32>} : memref<512xf32, #tpu.memory_space<vmem>>, vector<16xf32>,
    %get3A_447 = vector.shape_cast %get3A_446 : vector<16xf32> to vector<16xf32>
    %abs3A_448 = math.absf %get3A_447 : vector<16xf32>
    %get3A_449 = arith.constant 320 : index
    %get3A_450 = tpu.vector_load %arg8[%get3A_449] {strides = array<i32>} : memref<512xf32, #tpu.memory_space<vmem>>, vector<16xf32>,
    %get3A_451 = vector.shape_cast %get3A_450 : vector<16xf32> to vector<16xf32>
    %mul3A_452 = arith.mulf %abs3A_448, %get3A_451 : vector<16xf32>
    %sub3A_453 = arith.subf %abs3A_444, %mul3A_452 : vector<16xf32>
    %swap3A_454 = arith.constant 320 : index
    %swap3A_455 = tpu.vector_load %arg11[%swap3A_454] {strides = array<i32>} : memref<512xf32, #tpu.memory_space<vmem>>, vector<16xf32>,
    %swap3A_456 = vector.shape_cast %swap3A_455 : vector<16xf32> to vector<16xf32>
    %swap3A_457 = vector.shape_cast %sub3A_453 : vector<16xf32> to vector<16xf32>
    tpu.vector_store %arg11[%swap3A_454], %swap3A_457 {strides = array<i32>} : memref<512xf32, #tpu.memory_space<vmem>>, vector<16xf32>,
    %get3A_458 = arith.constant 336 : index
    %get3A_459 = tpu.vector_load %arg10[%get3A_458] {strides = array<i32>} : memref<512xf32, #tpu.memory_space<vmem>>, vector<16xf32>,
    %get3A_460 = vector.shape_cast %get3A_459 : vector<16xf32> to vector<16xf32>
    %abs3A_461 = math.absf %get3A_460 : vector<16xf32>
    %get3A_462 = arith.constant 336 : index
    %get3A_463 = tpu.vector_load %arg9[%get3A_462] {strides = array<i32>} : memref<512xf32, #tpu.memory_space<vmem>>, vector<16xf32>,
    %get3A_464 = vector.shape_cast %get3A_463 : vector<16xf32> to vector<16xf32>
    %abs3A_465 = math.absf %get3A_464 : vector<16xf32>
    %get3A_466 = arith.constant 336 : index
    %get3A_467 = tpu.vector_load %arg8[%get3A_466] {strides = array<i32>} : memref<512xf32, #tpu.memory_space<vmem>>, vector<16xf32>,
    %get3A_468 = vector.shape_cast %get3A_467 : vector<16xf32> to vector<16xf32>
    %mul3A_469 = arith.mulf %abs3A_465, %get3A_468 : vector<16xf32>
    %sub3A_470 = arith.subf %abs3A_461, %mul3A_469 : vector<16xf32>
    %swap3A_471 = arith.constant 336 : index
    %swap3A_472 = tpu.vector_load %arg11[%swap3A_471] {strides = array<i32>} : memref<512xf32, #tpu.memory_space<vmem>>, vector<16xf32>,
    %swap3A_473 = vector.shape_cast %swap3A_472 : vector<16xf32> to vector<16xf32>
    %swap3A_474 = vector.shape_cast %sub3A_470 : vector<16xf32> to vector<16xf32>
    tpu.vector_store %arg11[%swap3A_471], %swap3A_474 {strides = array<i32>} : memref<512xf32, #tpu.memory_space<vmem>>, vector<16xf32>,
    %get3A_475 = arith.constant 352 : index
    %get3A_476 = tpu.vector_load %arg10[%get3A_475] {strides = array<i32>} : memref<512xf32, #tpu.memory_space<vmem>>, vector<16xf32>,
    %get3A_477 = vector.shape_cast %get3A_476 : vector<16xf32> to vector<16xf32>
    %abs3A_478 = math.absf %get3A_477 : vector<16xf32>
    %get3A_479 = arith.constant 352 : index
    %get3A_480 = tpu.vector_load %arg9[%get3A_479] {strides = array<i32>} : memref<512xf32, #tpu.memory_space<vmem>>, vector<16xf32>,
    %get3A_481 = vector.shape_cast %get3A_480 : vector<16xf32> to vector<16xf32>
    %abs3A_482 = math.absf %get3A_481 : vector<16xf32>
    %get3A_483 = arith.constant 352 : index
    %get3A_484 = tpu.vector_load %arg8[%get3A_483] {strides = array<i32>} : memref<512xf32, #tpu.memory_space<vmem>>, vector<16xf32>,
    %get3A_485 = vector.shape_cast %get3A_484 : vector<16xf32> to vector<16xf32>
    %mul3A_486 = arith.mulf %abs3A_482, %get3A_485 : vector<16xf32>
    %sub3A_487 = arith.subf %abs3A_478, %mul3A_486 : vector<16xf32>
    %swap3A_488 = arith.constant 352 : index
    %swap3A_489 = tpu.vector_load %arg11[%swap3A_488] {strides = array<i32>} : memref<512xf32, #tpu.memory_space<vmem>>, vector<16xf32>,
    %swap3A_490 = vector.shape_cast %swap3A_489 : vector<16xf32> to vector<16xf32>
    %swap3A_491 = vector.shape_cast %sub3A_487 : vector<16xf32> to vector<16xf32>
    tpu.vector_store %arg11[%swap3A_488], %swap3A_491 {strides = array<i32>} : memref<512xf32, #tpu.memory_space<vmem>>, vector<16xf32>,
    %get3A_492 = arith.constant 368 : index
    %get3A_493 = tpu.vector_load %arg10[%get3A_492] {strides = array<i32>} : memref<512xf32, #tpu.memory_space<vmem>>, vector<16xf32>,
    %get3A_494 = vector.shape_cast %get3A_493 : vector<16xf32> to vector<16xf32>
    %abs3A_495 = math.absf %get3A_494 : vector<16xf32>
    %get3A_496 = arith.constant 368 : index
    %get3A_497 = tpu.vector_load %arg9[%get3A_496] {strides = array<i32>} : memref<512xf32, #tpu.memory_space<vmem>>, vector<16xf32>,
    %get3A_498 = vector.shape_cast %get3A_497 : vector<16xf32> to vector<16xf32>
    %abs3A_499 = math.absf %get3A_498 : vector<16xf32>
    %get3A_500 = arith.constant 368 : index
    %get3A_501 = tpu.vector_load %arg8[%get3A_500] {strides = array<i32>} : memref<512xf32, #tpu.memory_space<vmem>>, vector<16xf32>,
    %get3A_502 = vector.shape_cast %get3A_501 : vector<16xf32> to vector<16xf32>
    %mul3A_503 = arith.mulf %abs3A_499, %get3A_502 : vector<16xf32>
    %sub3A_504 = arith.subf %abs3A_495, %mul3A_503 : vector<16xf32>
    %swap3A_505 = arith.constant 368 : index
    %swap3A_506 = tpu.vector_load %arg11[%swap3A_505] {strides = array<i32>} : memref<512xf32, #tpu.memory_space<vmem>>, vector<16xf32>,
    %swap3A_507 = vector.shape_cast %swap3A_506 : vector<16xf32> to vector<16xf32>
    %swap3A_508 = vector.shape_cast %sub3A_504 : vector<16xf32> to vector<16xf32>
    tpu.vector_store %arg11[%swap3A_505], %swap3A_508 {strides = array<i32>} : memref<512xf32, #tpu.memory_space<vmem>>, vector<16xf32>,
    %add3A_509 = arith.constant 256 : i32
    %add3A_510 = arith.addi %mul3A_2, %add3A_509 : i32
    %dma_start3A_511 = arith.constant 256 : i32
    %dma_start3A_512 = tpu.memref_slice %arg11[%dma_start3A_511] : memref<512xf32, #tpu.memory_space<vmem>> -> memref<128xf32, #tpu.memory_space<vmem>>
    %dma_start3A_513 = tpu.memref_slice %arg6[%add3A_510] : memref<16384xf32, #tpu.memory_space<hbm>> -> memref<128xf32, #tpu.memory_space<hbm>>
    %dma_start3A_514 = tpu.memref_slice %arg6[%add3A_510] : memref<16384xf32, #tpu.memory_space<hbm>> -> memref<128xf32, #tpu.memory_space<hbm>>
    %dma_start3A_515 = arith.constant 256 : i32
    %dma_start3A_516 = tpu.memref_slice %arg11[%dma_start3A_515] : memref<512xf32, #tpu.memory_space<vmem>> -> memref<128xf32, #tpu.memory_space<vmem>>
    tpu.enqueue_dma source(%dma_start3A_516 : memref<128xf32, #tpu.memory_space<vmem>>) target(%dma_start3A_514 : memref<128xf32, #tpu.memory_space<hbm>>) target_semaphore(%arg17 : memref<!tpu.dma_semaphore, #tpu.memory_space<semaphore_mem>>)
    %dma_wait3A_517 = arith.constant 384 : i32
    %dma_wait3A_518 = tpu.memref_slice %arg9[%dma_wait3A_517] : memref<512xf32, #tpu.memory_space<vmem>> -> memref<128xf32, #tpu.memory_space<vmem>>
    %dma_wait3A_519 = arith.constant 384 : i32
    %dma_wait3A_520 = tpu.memref_slice %arg7[%dma_wait3A_519] : memref<512xi32, #tpu.memory_space<vmem>> -> memref<128xi32, #tpu.memory_space<vmem>>
    %dma_wait3A_521 = arith.constant 0 : i32
    %dma_wait3A_522 = tpu.memref_slice %arg4[%dma_wait3A_521] : memref<1000000xf32, #tpu.memory_space<hbm>> -> memref<1000000xf32, #tpu.memory_space<hbm>>
    tpu.wait_indirect_dma semaphore(%arg15 : memref<!tpu.dma_semaphore, #tpu.memory_space<semaphore_mem>>) src(%dma_wait3A_522 : memref<1000000xf32, #tpu.memory_space<hbm>>) dst(%dma_wait3A_518 : memref<128xf32, #tpu.memory_space<vmem>>)
    %dma_wait3A_523 = arith.constant 384 : i32
    %dma_wait3A_524 = tpu.memref_slice %arg10[%dma_wait3A_523] : memref<512xf32, #tpu.memory_space<vmem>> -> memref<128xf32, #tpu.memory_space<vmem>>
    %dma_wait3A_525 = arith.constant 384 : i32
    %dma_wait3A_526 = tpu.memref_slice %arg7[%dma_wait3A_525] : memref<512xi32, #tpu.memory_space<vmem>> -> memref<128xi32, #tpu.memory_space<vmem>>
    %dma_wait3A_527 = arith.constant 0 : i32
    %dma_wait3A_528 = tpu.memref_slice %arg5[%dma_wait3A_527] : memref<1000000xf32, #tpu.memory_space<hbm>> -> memref<1000000xf32, #tpu.memory_space<hbm>>
    tpu.wait_indirect_dma semaphore(%arg15 : memref<!tpu.dma_semaphore, #tpu.memory_space<semaphore_mem>>) src(%dma_wait3A_528 : memref<1000000xf32, #tpu.memory_space<hbm>>) dst(%dma_wait3A_524 : memref<128xf32, #tpu.memory_space<vmem>>)
    %get3A_529 = arith.constant 384 : index
    %get3A_530 = tpu.vector_load %arg10[%get3A_529] {strides = array<i32>} : memref<512xf32, #tpu.memory_space<vmem>>, vector<16xf32>,
    %get3A_531 = vector.shape_cast %get3A_530 : vector<16xf32> to vector<16xf32>
    %abs3A_532 = math.absf %get3A_531 : vector<16xf32>
    %get3A_533 = arith.constant 384 : index
    %get3A_534 = tpu.vector_load %arg9[%get3A_533] {strides = array<i32>} : memref<512xf32, #tpu.memory_space<vmem>>, vector<16xf32>,
    %get3A_535 = vector.shape_cast %get3A_534 : vector<16xf32> to vector<16xf32>
    %abs3A_536 = math.absf %get3A_535 : vector<16xf32>
    %get3A_537 = arith.constant 384 : index
    %get3A_538 = tpu.vector_load %arg8[%get3A_537] {strides = array<i32>} : memref<512xf32, #tpu.memory_space<vmem>>, vector<16xf32>,
    %get3A_539 = vector.shape_cast %get3A_538 : vector<16xf32> to vector<16xf32>
    %mul3A_540 = arith.mulf %abs3A_536, %get3A_539 : vector<16xf32>
    %sub3A_541 = arith.subf %abs3A_532, %mul3A_540 : vector<16xf32>
    %swap3A_542 = arith.constant 384 : index
    %swap3A_543 = tpu.vector_load %arg11[%swap3A_542] {strides = array<i32>} : memref<512xf32, #tpu.memory_space<vmem>>, vector<16xf32>,
    %swap3A_544 = vector.shape_cast %swap3A_543 : vector<16xf32> to vector<16xf32>
    %swap3A_545 = vector.shape_cast %sub3A_541 : vector<16xf32> to vector<16xf32>
    tpu.vector_store %arg11[%swap3A_542], %swap3A_545 {strides = array<i32>} : memref<512xf32, #tpu.memory_space<vmem>>, vector<16xf32>,
    %get3A_546 = arith.constant 400 : index
    %get3A_547 = tpu.vector_load %arg10[%get3A_546] {strides = array<i32>} : memref<512xf32, #tpu.memory_space<vmem>>, vector<16xf32>,
    %get3A_548 = vector.shape_cast %get3A_547 : vector<16xf32> to vector<16xf32>
    %abs3A_549 = math.absf %get3A_548 : vector<16xf32>
    %get3A_550 = arith.constant 400 : index
    %get3A_551 = tpu.vector_load %arg9[%get3A_550] {strides = array<i32>} : memref<512xf32, #tpu.memory_space<vmem>>, vector<16xf32>,
    %get3A_552 = vector.shape_cast %get3A_551 : vector<16xf32> to vector<16xf32>
    %abs3A_553 = math.absf %get3A_552 : vector<16xf32>
    %get3A_554 = arith.constant 400 : index
    %get3A_555 = tpu.vector_load %arg8[%get3A_554] {strides = array<i32>} : memref<512xf32, #tpu.memory_space<vmem>>, vector<16xf32>,
    %get3A_556 = vector.shape_cast %get3A_555 : vector<16xf32> to vector<16xf32>
    %mul3A_557 = arith.mulf %abs3A_553, %get3A_556 : vector<16xf32>
    %sub3A_558 = arith.subf %abs3A_549, %mul3A_557 : vector<16xf32>
    %swap3A_559 = arith.constant 400 : index
    %swap3A_560 = tpu.vector_load %arg11[%swap3A_559] {strides = array<i32>} : memref<512xf32, #tpu.memory_space<vmem>>, vector<16xf32>,
    %swap3A_561 = vector.shape_cast %swap3A_560 : vector<16xf32> to vector<16xf32>
    %swap3A_562 = vector.shape_cast %sub3A_558 : vector<16xf32> to vector<16xf32>
    tpu.vector_store %arg11[%swap3A_559], %swap3A_562 {strides = array<i32>} : memref<512xf32, #tpu.memory_space<vmem>>, vector<16xf32>,
    %get3A_563 = arith.constant 416 : index
    %get3A_564 = tpu.vector_load %arg10[%get3A_563] {strides = array<i32>} : memref<512xf32, #tpu.memory_space<vmem>>, vector<16xf32>,
    %get3A_565 = vector.shape_cast %get3A_564 : vector<16xf32> to vector<16xf32>
    %abs3A_566 = math.absf %get3A_565 : vector<16xf32>
    %get3A_567 = arith.constant 416 : index
    %get3A_568 = tpu.vector_load %arg9[%get3A_567] {strides = array<i32>} : memref<512xf32, #tpu.memory_space<vmem>>, vector<16xf32>,
    %get3A_569 = vector.shape_cast %get3A_568 : vector<16xf32> to vector<16xf32>
    %abs3A_570 = math.absf %get3A_569 : vector<16xf32>
    %get3A_571 = arith.constant 416 : index
    %get3A_572 = tpu.vector_load %arg8[%get3A_571] {strides = array<i32>} : memref<512xf32, #tpu.memory_space<vmem>>, vector<16xf32>,
    %get3A_573 = vector.shape_cast %get3A_572 : vector<16xf32> to vector<16xf32>
    %mul3A_574 = arith.mulf %abs3A_570, %get3A_573 : vector<16xf32>
    %sub3A_575 = arith.subf %abs3A_566, %mul3A_574 : vector<16xf32>
    %swap3A_576 = arith.constant 416 : index
    %swap3A_577 = tpu.vector_load %arg11[%swap3A_576] {strides = array<i32>} : memref<512xf32, #tpu.memory_space<vmem>>, vector<16xf32>,
    %swap3A_578 = vector.shape_cast %swap3A_577 : vector<16xf32> to vector<16xf32>
    %swap3A_579 = vector.shape_cast %sub3A_575 : vector<16xf32> to vector<16xf32>
    tpu.vector_store %arg11[%swap3A_576], %swap3A_579 {strides = array<i32>} : memref<512xf32, #tpu.memory_space<vmem>>, vector<16xf32>,
    %get3A_580 = arith.constant 432 : index
    %get3A_581 = tpu.vector_load %arg10[%get3A_580] {strides = array<i32>} : memref<512xf32, #tpu.memory_space<vmem>>, vector<16xf32>,
    %get3A_582 = vector.shape_cast %get3A_581 : vector<16xf32> to vector<16xf32>
    %abs3A_583 = math.absf %get3A_582 : vector<16xf32>
    %get3A_584 = arith.constant 432 : index
    %get3A_585 = tpu.vector_load %arg9[%get3A_584] {strides = array<i32>} : memref<512xf32, #tpu.memory_space<vmem>>, vector<16xf32>,
    %get3A_586 = vector.shape_cast %get3A_585 : vector<16xf32> to vector<16xf32>
    %abs3A_587 = math.absf %get3A_586 : vector<16xf32>
    %get3A_588 = arith.constant 432 : index
    %get3A_589 = tpu.vector_load %arg8[%get3A_588] {strides = array<i32>} : memref<512xf32, #tpu.memory_space<vmem>>, vector<16xf32>,
    %get3A_590 = vector.shape_cast %get3A_589 : vector<16xf32> to vector<16xf32>
    %mul3A_591 = arith.mulf %abs3A_587, %get3A_590 : vector<16xf32>
    %sub3A_592 = arith.subf %abs3A_583, %mul3A_591 : vector<16xf32>
    %swap3A_593 = arith.constant 432 : index
    %swap3A_594 = tpu.vector_load %arg11[%swap3A_593] {strides = array<i32>} : memref<512xf32, #tpu.memory_space<vmem>>, vector<16xf32>,
    %swap3A_595 = vector.shape_cast %swap3A_594 : vector<16xf32> to vector<16xf32>
    %swap3A_596 = vector.shape_cast %sub3A_592 : vector<16xf32> to vector<16xf32>
    tpu.vector_store %arg11[%swap3A_593], %swap3A_596 {strides = array<i32>} : memref<512xf32, #tpu.memory_space<vmem>>, vector<16xf32>,
    %get3A_597 = arith.constant 448 : index
    %get3A_598 = tpu.vector_load %arg10[%get3A_597] {strides = array<i32>} : memref<512xf32, #tpu.memory_space<vmem>>, vector<16xf32>,
    %get3A_599 = vector.shape_cast %get3A_598 : vector<16xf32> to vector<16xf32>
    %abs3A_600 = math.absf %get3A_599 : vector<16xf32>
    %get3A_601 = arith.constant 448 : index
    %get3A_602 = tpu.vector_load %arg9[%get3A_601] {strides = array<i32>} : memref<512xf32, #tpu.memory_space<vmem>>, vector<16xf32>,
    %get3A_603 = vector.shape_cast %get3A_602 : vector<16xf32> to vector<16xf32>
    %abs3A_604 = math.absf %get3A_603 : vector<16xf32>
    %get3A_605 = arith.constant 448 : index
    %get3A_606 = tpu.vector_load %arg8[%get3A_605] {strides = array<i32>} : memref<512xf32, #tpu.memory_space<vmem>>, vector<16xf32>,
    %get3A_607 = vector.shape_cast %get3A_606 : vector<16xf32> to vector<16xf32>
    %mul3A_608 = arith.mulf %abs3A_604, %get3A_607 : vector<16xf32>
    %sub3A_609 = arith.subf %abs3A_600, %mul3A_608 : vector<16xf32>
    %swap3A_610 = arith.constant 448 : index
    %swap3A_611 = tpu.vector_load %arg11[%swap3A_610] {strides = array<i32>} : memref<512xf32, #tpu.memory_space<vmem>>, vector<16xf32>,
    %swap3A_612 = vector.shape_cast %swap3A_611 : vector<16xf32> to vector<16xf32>
    %swap3A_613 = vector.shape_cast %sub3A_609 : vector<16xf32> to vector<16xf32>
    tpu.vector_store %arg11[%swap3A_610], %swap3A_613 {strides = array<i32>} : memref<512xf32, #tpu.memory_space<vmem>>, vector<16xf32>,
    %get3A_614 = arith.constant 464 : index
    %get3A_615 = tpu.vector_load %arg10[%get3A_614] {strides = array<i32>} : memref<512xf32, #tpu.memory_space<vmem>>, vector<16xf32>,
    %get3A_616 = vector.shape_cast %get3A_615 : vector<16xf32> to vector<16xf32>
    %abs3A_617 = math.absf %get3A_616 : vector<16xf32>
    %get3A_618 = arith.constant 464 : index
    %get3A_619 = tpu.vector_load %arg9[%get3A_618] {strides = array<i32>} : memref<512xf32, #tpu.memory_space<vmem>>, vector<16xf32>,
    %get3A_620 = vector.shape_cast %get3A_619 : vector<16xf32> to vector<16xf32>
    %abs3A_621 = math.absf %get3A_620 : vector<16xf32>
    %get3A_622 = arith.constant 464 : index
    %get3A_623 = tpu.vector_load %arg8[%get3A_622] {strides = array<i32>} : memref<512xf32, #tpu.memory_space<vmem>>, vector<16xf32>,
    %get3A_624 = vector.shape_cast %get3A_623 : vector<16xf32> to vector<16xf32>
    %mul3A_625 = arith.mulf %abs3A_621, %get3A_624 : vector<16xf32>
    %sub3A_626 = arith.subf %abs3A_617, %mul3A_625 : vector<16xf32>
    %swap3A_627 = arith.constant 464 : index
    %swap3A_628 = tpu.vector_load %arg11[%swap3A_627] {strides = array<i32>} : memref<512xf32, #tpu.memory_space<vmem>>, vector<16xf32>,
    %swap3A_629 = vector.shape_cast %swap3A_628 : vector<16xf32> to vector<16xf32>
    %swap3A_630 = vector.shape_cast %sub3A_626 : vector<16xf32> to vector<16xf32>
    tpu.vector_store %arg11[%swap3A_627], %swap3A_630 {strides = array<i32>} : memref<512xf32, #tpu.memory_space<vmem>>, vector<16xf32>,
    %get3A_631 = arith.constant 480 : index
    %get3A_632 = tpu.vector_load %arg10[%get3A_631] {strides = array<i32>} : memref<512xf32, #tpu.memory_space<vmem>>, vector<16xf32>,
    %get3A_633 = vector.shape_cast %get3A_632 : vector<16xf32> to vector<16xf32>
    %abs3A_634 = math.absf %get3A_633 : vector<16xf32>
    %get3A_635 = arith.constant 480 : index
    %get3A_636 = tpu.vector_load %arg9[%get3A_635] {strides = array<i32>} : memref<512xf32, #tpu.memory_space<vmem>>, vector<16xf32>,
    %get3A_637 = vector.shape_cast %get3A_636 : vector<16xf32> to vector<16xf32>
    %abs3A_638 = math.absf %get3A_637 : vector<16xf32>
    %get3A_639 = arith.constant 480 : index
    %get3A_640 = tpu.vector_load %arg8[%get3A_639] {strides = array<i32>} : memref<512xf32, #tpu.memory_space<vmem>>, vector<16xf32>,
    %get3A_641 = vector.shape_cast %get3A_640 : vector<16xf32> to vector<16xf32>
    %mul3A_642 = arith.mulf %abs3A_638, %get3A_641 : vector<16xf32>
    %sub3A_643 = arith.subf %abs3A_634, %mul3A_642 : vector<16xf32>
    %swap3A_644 = arith.constant 480 : index
    %swap3A_645 = tpu.vector_load %arg11[%swap3A_644] {strides = array<i32>} : memref<512xf32, #tpu.memory_space<vmem>>, vector<16xf32>,
    %swap3A_646 = vector.shape_cast %swap3A_645 : vector<16xf32> to vector<16xf32>
    %swap3A_647 = vector.shape_cast %sub3A_643 : vector<16xf32> to vector<16xf32>
    tpu.vector_store %arg11[%swap3A_644], %swap3A_647 {strides = array<i32>} : memref<512xf32, #tpu.memory_space<vmem>>, vector<16xf32>,
    %get3A_648 = arith.constant 496 : index
    %get3A_649 = tpu.vector_load %arg10[%get3A_648] {strides = array<i32>} : memref<512xf32, #tpu.memory_space<vmem>>, vector<16xf32>,
    %get3A_650 = vector.shape_cast %get3A_649 : vector<16xf32> to vector<16xf32>
    %abs3A_651 = math.absf %get3A_650 : vector<16xf32>
    %get3A_652 = arith.constant 496 : index
    %get3A_653 = tpu.vector_load %arg9[%get3A_652] {strides = array<i32>} : memref<512xf32, #tpu.memory_space<vmem>>, vector<16xf32>,
    %get3A_654 = vector.shape_cast %get3A_653 : vector<16xf32> to vector<16xf32>
    %abs3A_655 = math.absf %get3A_654 : vector<16xf32>
    %get3A_656 = arith.constant 496 : index
    %get3A_657 = tpu.vector_load %arg8[%get3A_656] {strides = array<i32>} : memref<512xf32, #tpu.memory_space<vmem>>, vector<16xf32>,
    %get3A_658 = vector.shape_cast %get3A_657 : vector<16xf32> to vector<16xf32>
    %mul3A_659 = arith.mulf %abs3A_655, %get3A_658 : vector<16xf32>
    %sub3A_660 = arith.subf %abs3A_651, %mul3A_659 : vector<16xf32>
    %swap3A_661 = arith.constant 496 : index
    %swap3A_662 = tpu.vector_load %arg11[%swap3A_661] {strides = array<i32>} : memref<512xf32, #tpu.memory_space<vmem>>, vector<16xf32>,
    %swap3A_663 = vector.shape_cast %swap3A_662 : vector<16xf32> to vector<16xf32>
    %swap3A_664 = vector.shape_cast %sub3A_660 : vector<16xf32> to vector<16xf32>
    tpu.vector_store %arg11[%swap3A_661], %swap3A_664 {strides = array<i32>} : memref<512xf32, #tpu.memory_space<vmem>>, vector<16xf32>,
    %add3A_665 = arith.constant 384 : i32
    %add3A_666 = arith.addi %mul3A_2, %add3A_665 : i32
    %dma_start3A_667 = arith.constant 384 : i32
    %dma_start3A_668 = tpu.memref_slice %arg11[%dma_start3A_667] : memref<512xf32, #tpu.memory_space<vmem>> -> memref<128xf32, #tpu.memory_space<vmem>>
    %dma_start3A_669 = tpu.memref_slice %arg6[%add3A_666] : memref<16384xf32, #tpu.memory_space<hbm>> -> memref<128xf32, #tpu.memory_space<hbm>>
    %dma_start3A_670 = tpu.memref_slice %arg6[%add3A_666] : memref<16384xf32, #tpu.memory_space<hbm>> -> memref<128xf32, #tpu.memory_space<hbm>>
    %dma_start3A_671 = arith.constant 384 : i32
    %dma_start3A_672 = tpu.memref_slice %arg11[%dma_start3A_671] : memref<512xf32, #tpu.memory_space<vmem>> -> memref<128xf32, #tpu.memory_space<vmem>>
    tpu.enqueue_dma source(%dma_start3A_672 : memref<128xf32, #tpu.memory_space<vmem>>) target(%dma_start3A_670 : memref<128xf32, #tpu.memory_space<hbm>>) target_semaphore(%arg17 : memref<!tpu.dma_semaphore, #tpu.memory_space<semaphore_mem>>)
    %dma_wait3A_673 = arith.constant 0 : i32
    %dma_wait3A_674 = tpu.memref_slice %arg11[%dma_wait3A_673] : memref<512xf32, #tpu.memory_space<vmem>> -> memref<128xf32, #tpu.memory_space<vmem>>
    %dma_wait3A_675 = tpu.memref_slice %arg6[%add3A_198] : memref<16384xf32, #tpu.memory_space<hbm>> -> memref<128xf32, #tpu.memory_space<hbm>>
    %dma_wait3A_676 = tpu.memref_slice %arg6[%add3A_198] : memref<16384xf32, #tpu.memory_space<hbm>> -> memref<128xf32, #tpu.memory_space<hbm>>
    %dma_wait3A_677 = arith.constant 0 : i32
    %dma_wait3A_678 = tpu.memref_slice %arg11[%dma_wait3A_677] : memref<512xf32, #tpu.memory_space<vmem>> -> memref<128xf32, #tpu.memory_space<vmem>>
    tpu.wait_dma2 semaphore(%arg17 : memref<!tpu.dma_semaphore, #tpu.memory_space<semaphore_mem>>) src(%dma_wait3A_678 : memref<128xf32, #tpu.memory_space<vmem>>) dst(%dma_wait3A_676 : memref<128xf32, #tpu.memory_space<hbm>>)
    %dma_wait3A_679 = arith.constant 128 : i32
    %dma_wait3A_680 = tpu.memref_slice %arg11[%dma_wait3A_679] : memref<512xf32, #tpu.memory_space<vmem>> -> memref<128xf32, #tpu.memory_space<vmem>>
    %dma_wait3A_681 = tpu.memref_slice %arg6[%add3A_354] : memref<16384xf32, #tpu.memory_space<hbm>> -> memref<128xf32, #tpu.memory_space<hbm>>
    %dma_wait3A_682 = tpu.memref_slice %arg6[%add3A_354] : memref<16384xf32, #tpu.memory_space<hbm>> -> memref<128xf32, #tpu.memory_space<hbm>>
    %dma_wait3A_683 = arith.constant 128 : i32
    %dma_wait3A_684 = tpu.memref_slice %arg11[%dma_wait3A_683] : memref<512xf32, #tpu.memory_space<vmem>> -> memref<128xf32, #tpu.memory_space<vmem>>
    tpu.wait_dma2 semaphore(%arg17 : memref<!tpu.dma_semaphore, #tpu.memory_space<semaphore_mem>>) src(%dma_wait3A_684 : memref<128xf32, #tpu.memory_space<vmem>>) dst(%dma_wait3A_682 : memref<128xf32, #tpu.memory_space<hbm>>)
    %dma_wait3A_685 = arith.constant 256 : i32
    %dma_wait3A_686 = tpu.memref_slice %arg11[%dma_wait3A_685] : memref<512xf32, #tpu.memory_space<vmem>> -> memref<128xf32, #tpu.memory_space<vmem>>
    %dma_wait3A_687 = tpu.memref_slice %arg6[%add3A_510] : memref<16384xf32, #tpu.memory_space<hbm>> -> memref<128xf32, #tpu.memory_space<hbm>>
    %dma_wait3A_688 = tpu.memref_slice %arg6[%add3A_510] : memref<16384xf32, #tpu.memory_space<hbm>> -> memref<128xf32, #tpu.memory_space<hbm>>
    %dma_wait3A_689 = arith.constant 256 : i32
    %dma_wait3A_690 = tpu.memref_slice %arg11[%dma_wait3A_689] : memref<512xf32, #tpu.memory_space<vmem>> -> memref<128xf32, #tpu.memory_space<vmem>>
    tpu.wait_dma2 semaphore(%arg17 : memref<!tpu.dma_semaphore, #tpu.memory_space<semaphore_mem>>) src(%dma_wait3A_690 : memref<128xf32, #tpu.memory_space<vmem>>) dst(%dma_wait3A_688 : memref<128xf32, #tpu.memory_space<hbm>>)
    %dma_wait3A_691 = arith.constant 384 : i32
    %dma_wait3A_692 = tpu.memref_slice %arg11[%dma_wait3A_691] : memref<512xf32, #tpu.memory_space<vmem>> -> memref<128xf32, #tpu.memory_space<vmem>>
    %dma_wait3A_693 = tpu.memref_slice %arg6[%add3A_666] : memref<16384xf32, #tpu.memory_space<hbm>> -> memref<128xf32, #tpu.memory_space<hbm>>
    %dma_wait3A_694 = tpu.memref_slice %arg6[%add3A_666] : memref<16384xf32, #tpu.memory_space<hbm>> -> memref<128xf32, #tpu.memory_space<hbm>>
    %dma_wait3A_695 = arith.constant 384 : i32
    %dma_wait3A_696 = tpu.memref_slice %arg11[%dma_wait3A_695] : memref<512xf32, #tpu.memory_space<vmem>> -> memref<128xf32, #tpu.memory_space<vmem>>
    tpu.wait_dma2 semaphore(%arg17 : memref<!tpu.dma_semaphore, #tpu.memory_space<semaphore_mem>>) src(%dma_wait3A_696 : memref<128xf32, #tpu.memory_space<vmem>>) dst(%dma_wait3A_694 : memref<128xf32, #tpu.memory_space<hbm>>)
    return
  }
}

</mosaic_0001>

<sc_bundles>
// kernel: kernel.3.cloned.1.call-start
scs
__scs_entry_jumppad:
0x0: {  	(pc) =	sbr.rel $0x88, $3  }
0x1: {  	(tag) =	ssettag $0x0;
	lr =	simm.s32 $0x1  }
0x2: {  	[smem:$0x3F9D] =	sst lr;
	_ =	strace $0xD0000000  }
0x3: {  	_ = 	snop  }
0x4: {  	_ = 	snop  }
0x5: {  	_ = 	snop  }
0x6: {  	_ = 	snop  }
0x7: {  	_ = 	snop  }
__scs_overlays_trampoline_lowered:
0x8: {  	[smem:$0x3FAC] =	sst s0  }
0x9: {  	[smem:$0x3FAD] =	sst s1  }
0xa: {  	[smem:$0x3FAE] =	sst s2  }
0xb: {  	[smem:$0x3FAF] =	sst s3  }
0xc: {  	[smem:$0x3FB0] =	sst s4  }
0xd: {  	[smem:$0x3FB1] =	sst s5  }
0xe: {  	[smem:$0x3FB2] =	sst s6  }
0xf: {  	[smem:$0x3FB3] =	sst s7  }
0x10: {  	[smem:$0x3FB4] =	sst s8  }
0x11: {  	[smem:$0x3FB5] =	sst s9;
	s0 =	simm.s32 @!p0 $0x0  }
0x12: {  	s1 =	sld [smem:$0x3F9B];
	s0 =	simm.s32 @p0 $0x1  }
0x13: {  	[smem:$0x3FB6] =	sst s0;
	s0 =	simm.s32 @!p1 $0x0  }
0x14: {  	s2 =	sld [smem:$0x3F9A];
	s0 =	simm.s32 @p1 $0x1  }
0x15: {  	[smem:$0x3FB7] =	sst s0;
	s0 =	simm.s32 @!p2 $0x0  }
0x16: {  	s3 =	sld [smem:$0x3FDB];
	s0 =	simm.s32 @p2 $0x1  }
0x17: {  	s4 =	simm.s32 $0x1BF5;
	[smem:$0x3FB9] =	sst s0  }
0x18: {  	s0 =	sld [smem:$0x3F9C];
	_ =	swait.ge [sflag:s4], $0x0  }
0x19: {  	s7 =	sld [smem:$0x3F9D]  }
0x1a: {  	s8 =	sadd.s32 $0xFFFFE003, lr  }
0x1b: {  	s9 =	sadd.s32 $0xFFFFFEF7, lr;
	s5 =	simm.s32 $0xFFFFFFFF;
	p2 =	slt.u32 s8, $0xFFFFF086  }
0x1c: {  	p1 =	slt.u32 s9, $0xF7A;
	s5 =	simm.s32 @!p2 $0x0  }
0x1d: {  	s5 =	simm.s32 @p1 $0x1;
	p0 =	seq.s32 s7, s2  }
0x1e: {  	s7 =	smul.u32 @!p0 $0xF7A, s2;
	p2 =	seq.s32 @!p0 s5, $0x0  }
0x1f: {  	s9 =	smul.u32 $0xF7A, s1;
	s8 =	simm.s32 @!p0 $0x1BF5;
	p2 =	por !p2, p0  }
0x20: {  	[sflag:s8] =	ssyncset.s32 @!p0 $0xFFFFF086;
	s6 =	sadd.s32 @!p0 s3, s7;
	s7 =	simm.s32 @!p0 $0x108  }
0x21: {  	s3 =	sadd.s32 s3, s9;
	s6 =	sadd.s32 @!p0 $0x88, s6;
	s7 =	simm.s32 @p2 $0x1082  }
0x22: {  	[simem:s7], [sflag:s8] =	dma.local @!p0 [hbm:s6], $0xF7A  }
0x23: {  	s9 =	sor.u32 $0xD0000000, s2;
	s6 =	simm.s32 $0x108;
	_ =	swait.ge @!p0 [sflag:s8], $0x0  }
0x24: {  	s3 =	sadd.s32 $0x88, s3;
	s6 =	simm.s32 @!p1 $0x1082;
	[sflag:s4] =	ssyncset.s32 $0xFFFFF086  }
0x25: {  	[simem:s6], [sflag:s4] =	dma.local [hbm:s3], $0xF7A  }
0x26: {  	[smem:$0x3F9D] =	sst s1;
	(tag) =	ssettag s2;
	_ =	strace s9  }
0x27: {  	s1 =	sld [smem:$0x3FAD]  }
0x28: {  	s2 =	sld [smem:$0x3FAE]  }
0x29: {  	s4 =	sld [smem:$0x3FB0]  }
0x2a: {  	p0 =	seq.s32 s5, $0x0;
	s5 =	sld [smem:$0x3FB1]  }
0x2b: {  	s6 =	sld [smem:$0x3FB2]  }
0x2c: {  	s7 =	sld [smem:$0x3FB3]  }
0x2d: {  	s3 =	simm.s32 $0x108;
	s8 =	sld [smem:$0x3FB4]  }
0x2e: {  	s3 =	simm.s32 @!p0 $0x1082;
	s9 =	sld [smem:$0x3FB5]  }
0x2f: {  	lr =	sadd.s32 s0, s3;
	s0 =	sld [smem:$0x3FAC]  }
0x30: {  	s3 =	sld [smem:$0x3FAF]  }
0x31: {  	[smem:$0x3FB8] =	sst s10  }
0x32: {  	s10 =	sld [smem:$0x3FB6];
	_ =	sdelay $0x3  }
0x33: {  	p0 =	seq.s32 s10, $0x1;
	s10 =	sld [smem:$0x3FB8];
	_ =	sdelay $0x3  }
0x34: {  	[smem:$0x3FB8] =	sst s10  }
0x35: {  	s10 =	sld [smem:$0x3FB7];
	_ =	sdelay $0x3  }
0x36: {  	p1 =	seq.s32 s10, $0x1;
	s10 =	sld [smem:$0x3FB8];
	_ =	sdelay $0x3  }
0x37: {  	[smem:$0x3FB8] =	sst s10  }
0x38: {  	s10 =	sld [smem:$0x3FB9]  }
0x39: {  	_ = 	snop;
	(pc) =	sbr.ind lr, $3  }
0x3a: {  	_ = 	snop  }
0x3b: {  	_ = 	snop  }
0x3c: {  	p2 =	seq.s32 s10, $0x1;
	s10 =	sld [smem:$0x3FB8]  }
0x3d: {  	_ =	shalt  }
0x3e: {  	_ =	shalt  }
0x3f: {  	_ =	shalt  }
0x40: {  	_ =	shalt  }
0x41: {  	_ =	shalt  }
0x42: {  	_ =	shalt  }
0x43: {  	_ =	shalt  }
0x44: {  	_ =	shalt  }
0x45: {  	_ =	shalt  }
0x46: {  	_ =	shalt  }
0x47: {  	_ =	shalt  }
0x48: {  	_ =	shalt  }
0x49: {  	_ =	shalt  }
0x4a: {  	_ =	shalt  }
0x4b: {  	_ =	shalt  }
0x4c: {  	_ =	shalt  }
0x4d: {  	_ =	shalt  }
0x4e: {  	_ =	shalt  }
0x4f: {  	_ =	shalt  }
0x50: {  	_ =	shalt  }
0x51: {  	_ =	shalt  }
0x52: {  	_ =	shalt  }
0x53: {  	_ =	shalt  }
0x54: {  	_ =	shalt  }
0x55: {  	_ =	shalt  }
0x56: {  	_ =	shalt  }
0x57: {  	_ =	shalt  }
0x58: {  	_ =	shalt  }
0x59: {  	_ =	shalt  }
0x5a: {  	_ =	shalt  }
0x5b: {  	_ =	shalt  }
0x5c: {  	_ =	shalt  }
0x5d: {  	_ =	shalt  }
0x5e: {  	_ =	shalt  }
0x5f: {  	_ =	shalt  }
0x60: {  	_ =	shalt  }
0x61: {  	_ =	shalt  }
0x62: {  	_ =	shalt  }
0x63: {  	_ =	shalt  }
0x64: {  	_ =	shalt  }
0x65: {  	_ =	shalt  }
0x66: {  	_ =	shalt  }
0x67: {  	_ =	shalt  }
0x68: {  	_ =	shalt  }
0x69: {  	_ =	shalt  }
0x6a: {  	_ =	shalt  }
0x6b: {  	_ =	shalt  }
0x6c: {  	_ =	shalt  }
0x6d: {  	_ =	shalt  }
0x6e: {  	_ =	shalt  }
0x6f: {  	_ =	shalt  }
0x70: {  	_ =	shalt  }
0x71: {  	_ =	shalt  }
0x72: {  	_ =	shalt  }
0x73: {  	_ =	shalt  }
0x74: {  	_ =	shalt  }
0x75: {  	_ =	shalt  }
0x76: {  	_ =	shalt  }
0x77: {  	_ =	shalt  }
0x78: {  	_ =	shalt  }
0x79: {  	_ =	shalt  }
0x7a: {  	_ =	shalt  }
0x7b: {  	_ =	shalt  }
0x7c: {  	_ =	shalt  }
0x7d: {  	_ =	shalt  }
0x7e: {  	_ =	shalt  }
0x7f: {  	_ =	shalt  }
0x80: {  	_ =	shalt  }
0x81: {  	_ =	shalt  }
0x82: {  	_ =	shalt  }
0x83: {  	_ =	shalt  }
0x84: {  	_ =	shalt  }
0x85: {  	_ =	shalt  }
0x86: {  	_ =	shalt  }
0x87: {  	_ =	shalt  }
.Lfunc_end0:
.L_simem_size_0:
called_computation_lowered:
.L_overlay_start_0:
0x88: {  	s2 =	sld [smem:$0x3FD9]  }
0x89: {  	s3 =	sld [smem:$0x3FFE];
	_ =	sdelay $0x1  }
0x8a: {  	s1 =	srdreg.scid  }
0x8b: {  	s0 =	sand.u32 $0x1, s1  }
0x8c: {  	s18 =	sshll.u32 s0, $0xA;
	s2 =	sadd.s32 s3, s2  }
0x8d: {  	s2 =	sadd.s32 s2, s18  }
0x8e: {  	[smem:$0x3FC4] =	sst s2  }
0x8f: {  	_ = 	snop  }
0x90: {  	s2 =	sld [smem:$0x3FC9]  }
0x91: {  	s19 =	sld [smem:$0x3FC8]  }
0x92: {  	s4 =	sld [smem:$0x3FC7]  }
0x93: {  	s5 =	sld [smem:$0x3FC6]  }
0x94: {  	s6 =	sld [smem:$0x3FD0];
	(tm) =	ssettm $0x1  }
0x95: {  	s7 =	sld [smem:$0x3FFB];
	_ =	sdelay $0x3  }
0x96: {  	_ =	strace s7  }
0x97: {  	s7 =	sld [smem:$0x3FFC];
	_ =	sdelay $0x3  }
0x98: {  	_ =	strace s7  }
0x99: {  	s7 =	sld [smem:$0x3FFD];
	_ =	sdelay $0x3  }
0x9a: {  	_ =	strace s7  }
0x9b: {  	_ =	strace $0x8FFFFFFF  }
0x9c: {  	s20 =	sld [smem:$0x3FDB];
	_ =	sdelay $0x1  }
0x9d: {  	s8 =	simm.s32 $_scs_section_size  }
0x9e: {  	s9 =	simm.s32 $_size__tile_overlayer_lowered;
	s10 =	simm.s32 $_tile_overlayer_lowered  }
0x9f: {  	s23 =	simm.s32 $0x1BFF;
	s22 =	sshll.u32 s10, $0x1;
	s7 =	sadd.s32 s8, s20  }
0xa0: {  	s11 =	simm.s32 $0x0;
	s21 =	sshll.u32 s9, $0x1;
	s9 =	sadd.s32 s22, s7  }
0xa1: {  	[timem:s11], [sflag:s23] =	dma.local [hbm:s9], s21  }
0xa2: {  	_ =	swait.ge [sflag:s23], s21  }
0xa3: {  	s8 =	ssub.s32 $0x0, s21;
	[sflag:s23] =	ssyncset.done $0x0  }
0xa4: {  	[sflag:s23] =	ssyncadd.s32 s8;
	_ =	sdelay $0x1  }
0xa5: {  	s24 =	simm.s32 $0x1B8B  }
0xa6: {  	_ =	swait.ge [sflag:s24], $0x1  }
0xa7: {  	[sflag:s24] =	ssyncset.done $0x0  }
0xa8: {  	s25 =	simm.s32 $0x1B8E;
	[sflag:s24] =	ssyncadd.s32 $0xFFFFFFFF  }
0xa9: {  	s26 =	simm.s32 $execute0_lowered;
	[smem:$0x3FD2] =	sst s25  }
0xaa: {  	s8 =	sshll.u32 s26, $0x1;
	_ =	strace $0x80000046;
	[dreg:$0x1] =	wrdreg $0xFFFFFFFF  }
0xab: {  	s28 =	simm.s32 $_size_execute0_lowered;
	s7 =	sadd.s32 s7, s8;
	[dreg:$0x0] =	wrdreg $0x0  }
0xac: {  	s8 =	sshll.u32 s28, $0x1;
	[dreg:$0x2] =	wrdreg s7  }
0xad: {  	[dreg:$0x3] =	wrdreg s8  }
0xae: {  	[dreg:$0x4] =	wrdreg $0xC0  }
0xaf: {  	_ =	task [dreg:s11], $0x5FFFF  }
0xb0: {  	[dreg:$0x1] =	wrdreg $0xFFFFFFFF  }
0xb1: {  	[dreg:$0x0] =	wrdreg $0x60  }
0xb2: {  	[dreg:$0x2] =	wrdreg s2  }
0xb3: {  	[dreg:$0x3] =	wrdreg s19  }
0xb4: {  	[dreg:$0x4] =	wrdreg s4  }
0xb5: {  	[dreg:$0x5] =	wrdreg s5  }
0xb6: {  	[dreg:$0x6] =	wrdreg s6  }
0xb7: {  	[dreg:$0x7] =	wrdreg $0x9  }
0xb8: {  	_ =	task.clear_ibuf [dreg:s11], $0x8FFFF;
	_ =	strace $0x90000046  }
0xb9: {  	s29 =	simm.s32 $0x9;
	_ =	strace $0x80000048  }
0xba: {  	_ =	swait.ge [sflag:s29], $0x1  }
0xbb: {  	[sflag:s29] =	ssyncadd.s32 $0xFFFFFFFF  }
0xbc: {  	_ =	strace $0x90000048  }
0xbd: {  	_ =	sfence  }
0xbe: {  	s30 =	sld [smem:$0x0];
	_ =	sdelay $0x2  }
0xbf: {  	s31 =	sshll.u32 s1, $0xD;
	s1 =	sshrl.u32 s1, $0x2  }
0xc0: {  	s3 =	sand.u32 $0x4000, s31;
	s1 =	sadd.s32 s1, s30  }
0xc1: {  	s0 =	sor.u32 s3, s0;
	s1 =	sshll.u32 s1, $0x11  }
0xc2: {  	s0 =	sor.u32 s1, s0  }
0xc3: {  	s0 =	sadd.s32 $0x8F2B, s0  }
0xc4: {  	[sflag:s0] =	ssyncadd.remote.s32 $0x1  }
0xc5: {  	_ =	sfence.sel $0xFFFF  }
0xc6: {  	[dreg:$0x0] =	wrdreg $0xFFFFFFFF;
	(pc) =	sbr.abs _section_cstart, $3  }
0xc7: {  	[dreg:$0x1] =	wrdreg $0xFFFFFFFF  }
0xc8: {  	_ =	task.clear_ibuf [dreg:s11], $0x2FFFF;
	_ =	strace $0x9FFFFFFF  }
0xc9: {  	(tm) =	ssettm $0x7FFFFFFF  }
tec
execute0_lowered:
.L_overlay_start_1:
0x0: {  	(tag) =	ssettag $0x1  }
0x1: {  	s0 =	rddreg [dreg:$0x0]  }
0x2: {  	s5 =	rddreg [dreg:$0x1]  }
0x3: {  	s1 =	rddreg [dreg:$0x2]  }
0x4: {  	s3 =	rddreg [dreg:$0x3]  }
0x5: {  	s6 =	rddreg [dreg:$0x4]  }
0x6: {  	s4 =	srdreg.scid;
	s2 =	stileid.u32;
	s10 =	simm.s32 $0x200  }
0x7: {  	s11 =	simm.s32 $0x80;
	s12 =	simm.s32 $0x400;
	s13 =	simm.s32 $0x600  }
0x8: {  	s14 =	simm.s32 $0x480;
	s15 =	simm.s32 $0x680;
	s16 =	simm.s32 $0x100  }
0x9: {  	s17 =	simm.s32 $0x500;
	s18 =	simm.s32 $0x700;
	s19 =	simm.s32 $0x180  }
0xa: {  	s20 =	simm.s32 $0x580;
	s21 =	simm.s32 $0x780;
	s22 =	simm.s32 $0x5  }
0xb: {  	s23 =	simm.s32 $0x1;
	s28 =	simm.s32 $0x3;
	s29 =	simm.s32 $0x900  }
0xc: {  	s30 =	simm.s32 $0x4;
	s31 =	simm.s32 $0x980;
	s7 =	sand.u32 $0x1, s4  }
0xd: {  	s4 =	simm.s32 $0x0;
	s8 =	sshll.u32 s2, $0x7;
	s9 =	sshll.u32 s7, $0x6  }
0xe: {  	[smem:$0x7FF] =	sst s4;
	s7 =	ssub.s32 $0x2, s7;
	s8 =	sor.u32 s9, s8  }
0xf: {  	_ =	strace $0x80000047;
	s24 =	sshrl.u32 s7, $0x1;
	s9 =	simm.s32 $0x7  }
0x10: {  	s5 =	sadd.s32 s5, s8;
	s0 =	sadd.s32 s0, s8;
	s25 =	ssub.s32 s7, s24  }
0x11: {  	s24 =	simm.s32 $0x800;
	[dreg:$0x6] =	wrdreg s5;
	s5 =	sadd.s32 s6, s8  }
0x12: {  	[dreg:$0x7] =	wrdreg s0;
	s8 =	smax.u32 s25, $0x1;
	s25 =	simm.s32 $0x2  }
0x13: {  	s0 =	simm.s32 $0x6;
	s26 =	sadd.s32 $0x10, s5;
	s6 =	sadd.s32 $0x20, s5  }
0x14: {  	s7 =	sadd.s32 $0x30, s5;
	[dreg:$0x8] =	wrdreg s26;
	s26 =	simm.s32 $0x880  }
.LBB2_1:
0x15: {  	s2 =	rddreg [dreg:$0x6]  }
0x16: {  	[tilespmem:s4], [sflag:$0x7] =	stream.linear.gather [hbm4b:s2+s4], $0x200, $0x38;
	[tilespmem:$0xA00] =	vst v63  }
0x17: {  	_ =	swait.ge [sflag:s9], $0x200  }
0x18: {  	[sflag:s9] =	ssyncset.done $0x0  }
0x19: {  	s2 =	rddreg [dreg:$0x7];
	[sflag:s9] =	ssyncadd.s32 $0xFFFFFE00  }
0x1a: {  	[tilespmem:s10], [sflag:$0x5] =	stream.linear.gather [hbm4b:s2+s4], $0x200, $0x38;
	[tilespmem:$0xA00] =	vst v63  }
0x1b: {  	_ = 	snop  }
0x1c: {  	[tilespmem:s12], [sflag:$0x1] =	stream.indirect.gather [hbm4b:s1+s11], $0x1, s4, s11, $0xb8;
	[tilespmem:$0xA00] =	vst v63  }
0x1d: {  	_ = 	snop  }
0x1e: {  	[tilespmem:s13], [sflag:$0x1] =	stream.indirect.gather [hbm4b:s3+s11], $0x1, s4, s11, $0xb8;
	[tilespmem:$0xA00] =	vst v63  }
0x1f: {  	_ = 	snop  }
0x20: {  	[tilespmem:s14], [sflag:$0x2] =	stream.indirect.gather [hbm4b:s1+s11], $0x1, s11, s11, $0xb8;
	[tilespmem:$0xA00] =	vst v63  }
0x21: {  	_ = 	snop  }
0x22: {  	[tilespmem:s15], [sflag:$0x2] =	stream.indirect.gather [hbm4b:s3+s11], $0x1, s11, s11, $0xb8;
	[tilespmem:$0xA00] =	vst v63  }
0x23: {  	_ = 	snop  }
0x24: {  	[tilespmem:s17], [sflag:$0x3] =	stream.indirect.gather [hbm4b:s1+s11], $0x1, s16, s11, $0xb8;
	[tilespmem:$0xA00] =	vst v63  }
0x25: {  	_ = 	snop  }
0x26: {  	[tilespmem:s18], [sflag:$0x3] =	stream.indirect.gather [hbm4b:s3+s11], $0x1, s16, s11, $0xb8;
	[tilespmem:$0xA00] =	vst v63  }
0x27: {  	_ = 	snop  }
0x28: {  	[tilespmem:s20], [sflag:$0x4] =	stream.indirect.gather [hbm4b:s1+s11], $0x1, s19, s11, $0xb8;
	[tilespmem:$0xA00] =	vst v63  }
0x29: {  	_ = 	snop  }
0x2a: {  	[tilespmem:s21], [sflag:$0x4] =	stream.indirect.gather [hbm4b:s3+s11], $0x1, s19, s11, $0xb8;
	[tilespmem:$0xA00] =	vst v63  }
0x2b: {  	_ =	swait.ge [sflag:s22], $0x200  }
0x2c: {  	[sflag:s22] =	ssyncset.done $0x0  }
0x2d: {  	[sflag:s22] =	ssyncadd.s32 $0xFFFFFE00  }
0x2e: {  	_ =	swait.ge [sflag:s23], $0x80  }
0x2f: {  	[sflag:s23] =	ssyncset.done $0x0  }
0x30: {  	[sflag:s23] =	ssyncadd.s32 $0xFFFFFF80  }
0x31: {  	_ =	swait.ge [sflag:s23], $0x80  }
0x32: {  	[sflag:s23] =	ssyncset.done $0x0  }
0x33: {  	[sflag:s23] =	ssyncadd.s32 $0xFFFFFF80  }
0x34: {  	v0 =	vld [tilespmem:$0x600]  }
0x35: {  	v1 =	vld [tilespmem:$0x400]  }
0x36: {  	v2 =	vld [tilespmem:$0x200]  }
0x37: {  	v3 =	vld [tilespmem:$0x610]  }
0x38: {  	v4 =	vld [tilespmem:$0x410]  }
0x39: {  	v5 =	vld [tilespmem:$0x210]  }
0x3a: {  	v6 =	vld [tilespmem:$0x620]  }
0x3b: {  	v7 =	vld [tilespmem:$0x420]  }
0x3c: {  	v8 =	vld [tilespmem:$0x220]  }
0x3d: {  	v9 =	vld [tilespmem:$0x630]  }
0x3e: {  	v10 =	vld [tilespmem:$0x430]  }
0x3f: {  	v11 =	vld [tilespmem:$0x230]  }
0x40: {  	v12 =	vld [tilespmem:$0x640]  }
0x41: {  	v13 =	vld [tilespmem:$0x440]  }
0x42: {  	v14 =	vld [tilespmem:$0x240]  }
0x43: {  	v15 =	vld [tilespmem:$0x650]  }
0x44: {  	v16 =	vld [tilespmem:$0x450]  }
0x45: {  	v17 =	vld [tilespmem:$0x250]  }
0x46: {  	v36 =	vld [tilespmem:$0x460];
	v1 =	vand.u32 $0x7FFFFFFF, v1;
	v34 =	vand.u32 $0x7FFFFFFF, v4  }
0x47: {  	v39 =	vld [tilespmem:$0x260];
	v0 =	vand.u32 $0x7FFFFFFF, v0;
	v37 =	vand.u32 $0x7FFFFFFF, v3;
	v38 =	vand.u32 $0x7FFFFFFF, v7  }
0x48: {  	v42 =	vld [tilespmem:$0x470];
	v41 =	vand.u32 $0x7FFFFFFF, v10;
	v6 =	vand.u32 $0x7FFFFFFF, v6;
	v1 =	vmul.f32 v2, v1  }
0x49: {  	v44 =	vld [tilespmem:$0x270];
	v43 =	vand.u32 $0x7FFFFFFF, v13;
	v45 =	vand.u32 $0x7FFFFFFF, v9;
	v2 =	vmul.f32 v5, v34  }
0x4a: {  	v47 =	vld [tilespmem:$0x670];
	v49 =	vand.u32 $0x7FFFFFFF, v12;
	v40 =	vmul.f32 v8, v38;
	v0 =	vsub.f32 v0, v1  }
0x4b: {  	v35 =	vld [tilespmem:$0x660];
	v50 =	vand.u32 $0x7FFFFFFF, v16;
	v3 =	vmul.f32 v11, v41;
	v1 =	vsub.f32 v37, v2  }
0x4c: {  	v53 =	vand.u32 $0x7FFFFFFF, v15;
	v46 =	vmul.f32 v14, v43;
	v2 =	vsub.f32 v6, v40;
	[tilespmem:$0x800] =	vst v0  }
0x4d: {  	v54 =	vand.u32 $0x7FFFFFFF, v42;
	v52 =	vmul.f32 v17, v50;
	v48 =	vsub.f32 v45, v3;
	[tilespmem:$0x810] =	vst v1  }
0x4e: {  	v5 =	vand.u32 $0x7FFFFFFF, v36;
	v57 =	vmul.f32 v44, v54;
	v51 =	vsub.f32 v49, v46;
	[tilespmem:$0x820] =	vst v2  }
0x4f: {  	v59 =	vand.u32 $0x7FFFFFFF, v47;
	v5 =	vmul.f32 v39, v5;
	v55 =	vsub.f32 v53, v52;
	[tilespmem:$0x830] =	vst v48  }
0x50: {  	v56 =	vand.u32 $0x7FFFFFFF, v35;
	v60 =	vsub.f32 v59, v57;
	[tilespmem:$0x840] =	vst v51  }
0x51: {  	v58 =	vsub.f32 v56, v5;
	[tilespmem:$0x850] =	vst v55  }
0x52: {  	[tilespmem:$0x870] =	vst v60  }
0x53: {  	[tilespmem:$0x860] =	vst v58  }
0x54: {  	[hbm4b:s5+s4] =	stream.linear.scatter [tilespmem:s24], [sflag:$0x6], $0x80, $0x38;
	[tilespmem:$0xA00] =	vst v63  }
0x55: {  	_ =	swait.ge [sflag:s25], $0x80  }
0x56: {  	[sflag:s25] =	ssyncset.done $0x0  }
0x57: {  	[sflag:s25] =	ssyncadd.s32 $0xFFFFFF80  }
0x58: {  	_ =	swait.ge [sflag:s25], $0x80  }
0x59: {  	[sflag:s25] =	ssyncset.done $0x0  }
0x5a: {  	[sflag:s25] =	ssyncadd.s32 $0xFFFFFF80  }
0x5b: {  	v61 =	vld [tilespmem:$0x680]  }
0x5c: {  	v62 =	vld [tilespmem:$0x480]  }
0x5d: {  	v63 =	vld [tilespmem:$0x280]  }
0x5e: {  	v20 =	vld [tilespmem:$0x690]  }
0x5f: {  	v21 =	vld [tilespmem:$0x490]  }
0x60: {  	v22 =	vld [tilespmem:$0x290]  }
0x61: {  	v23 =	vld [tilespmem:$0x6A0]  }
0x62: {  	v24 =	vld [tilespmem:$0x4A0]  }
0x63: {  	v25 =	vld [tilespmem:$0x2A0]  }
0x64: {  	v26 =	vld [tilespmem:$0x6B0]  }
0x65: {  	v27 =	vld [tilespmem:$0x4B0]  }
0x66: {  	v28 =	vld [tilespmem:$0x2B0]  }
0x67: {  	v29 =	vld [tilespmem:$0x6C0]  }
0x68: {  	v30 =	vld [tilespmem:$0x4C0]  }
0x69: {  	v31 =	vld [tilespmem:$0x2C0]  }
0x6a: {  	v32 =	vld [tilespmem:$0x6D0]  }
0x6b: {  	v33 =	vld [tilespmem:$0x4D0]  }
0x6c: {  	v34 =	vld [tilespmem:$0x2D0]  }
0x6d: {  	v36 =	vld [tilespmem:$0x6E0];
	v1 =	vand.u32 $0x7FFFFFFF, v62;
	v35 =	vand.u32 $0x7FFFFFFF, v21  }
0x6e: {  	v37 =	vld [tilespmem:$0x4E0];
	v0 =	vand.u32 $0x7FFFFFFF, v61;
	v38 =	vand.u32 $0x7FFFFFFF, v20;
	v39 =	vand.u32 $0x7FFFFFFF, v24  }
0x6f: {  	v40 =	vld [tilespmem:$0x2E0];
	v42 =	vand.u32 $0x7FFFFFFF, v27;
	v6 =	vand.u32 $0x7FFFFFFF, v23;
	v1 =	vmul.f32 v63, v1  }
0x70: {  	v43 =	vld [tilespmem:$0x4F0];
	v44 =	vand.u32 $0x7FFFFFFF, v30;
	v46 =	vand.u32 $0x7FFFFFFF, v26;
	v2 =	vmul.f32 v22, v35  }
0x71: {  	v45 =	vld [tilespmem:$0x2F0];
	v50 =	vand.u32 $0x7FFFFFFF, v29;
	v41 =	vmul.f32 v25, v39;
	v0 =	vsub.f32 v0, v1  }
0x72: {  	v48 =	vld [tilespmem:$0x6F0];
	v51 =	vand.u32 $0x7FFFFFFF, v33;
	v3 =	vmul.f32 v28, v42;
	v1 =	vsub.f32 v38, v2  }
0x73: {  	v5 =	vand.u32 $0x7FFFFFFF, v37;
	v47 =	vmul.f32 v31, v44;
	v2 =	vsub.f32 v6, v41;
	[tilespmem:$0x880] =	vst v0  }
0x74: {  	v54 =	vand.u32 $0x7FFFFFFF, v32;
	v53 =	vmul.f32 v34, v51;
	v49 =	vsub.f32 v46, v3;
	[tilespmem:$0x890] =	vst v1  }
0x75: {  	v55 =	vand.u32 $0x7FFFFFFF, v43;
	v5 =	vmul.f32 v40, v5;
	v52 =	vsub.f32 v50, v47;
	[tilespmem:$0x8A0] =	vst v2  }
0x76: {  	v57 =	vand.u32 $0x7FFFFFFF, v36;
	v58 =	vmul.f32 v45, v55;
	v56 =	vsub.f32 v54, v53;
	[tilespmem:$0x8B0] =	vst v49  }
0x77: {  	v60 =	vand.u32 $0x7FFFFFFF, v48;
	v59 =	vsub.f32 v57, v5;
	[tilespmem:$0x8C0] =	vst v52  }
0x78: {  	v61 =	vsub.f32 v60, v58;
	[tilespmem:$0x8D0] =	vst v56  }
0x79: {  	[tilespmem:$0x8E0] =	vst v59  }
0x7a: {  	s2 =	rddreg [dreg:$0x8];
	[tilespmem:$0x8F0] =	vst v61  }
0x7b: {  	[hbm4b:s2+s4] =	stream.linear.scatter [tilespmem:s26], [sflag:$0x6], $0x80, $0x38;
	[tilespmem:$0xA00] =	vst v63  }
0x7c: {  	_ =	swait.ge [sflag:s28], $0x80  }
0x7d: {  	[sflag:s28] =	ssyncset.done $0x0  }
0x7e: {  	[sflag:s28] =	ssyncadd.s32 $0xFFFFFF80  }
0x7f: {  	_ =	swait.ge [sflag:s28], $0x80  }
0x80: {  	[sflag:s28] =	ssyncset.done $0x0  }
0x81: {  	[sflag:s28] =	ssyncadd.s32 $0xFFFFFF80  }
0x82: {  	v62 =	vld [tilespmem:$0x700]  }
0x83: {  	v63 =	vld [tilespmem:$0x500]  }
0x84: {  	v20 =	vld [tilespmem:$0x300]  }
0x85: {  	v21 =	vld [tilespmem:$0x710]  }
0x86: {  	v22 =	vld [tilespmem:$0x510]  }
0x87: {  	v23 =	vld [tilespmem:$0x310]  }
0x88: {  	v24 =	vld [tilespmem:$0x720]  }
0x89: {  	v25 =	vld [tilespmem:$0x520]  }
0x8a: {  	v26 =	vld [tilespmem:$0x320]  }
0x8b: {  	v27 =	vld [tilespmem:$0x730]  }
0x8c: {  	v28 =	vld [tilespmem:$0x530]  }
0x8d: {  	v29 =	vld [tilespmem:$0x330]  }
0x8e: {  	v30 =	vld [tilespmem:$0x740]  }
0x8f: {  	v31 =	vld [tilespmem:$0x540]  }
0x90: {  	v32 =	vld [tilespmem:$0x340]  }
0x91: {  	v33 =	vld [tilespmem:$0x750]  }
0x92: {  	v34 =	vld [tilespmem:$0x550]  }
0x93: {  	v35 =	vld [tilespmem:$0x350]  }
0x94: {  	v37 =	vld [tilespmem:$0x760];
	v1 =	vand.u32 $0x7FFFFFFF, v63;
	v36 =	vand.u32 $0x7FFFFFFF, v22  }
0x95: {  	v38 =	vld [tilespmem:$0x560];
	v0 =	vand.u32 $0x7FFFFFFF, v62;
	v39 =	vand.u32 $0x7FFFFFFF, v21;
	v40 =	vand.u32 $0x7FFFFFFF, v25  }
0x96: {  	v41 =	vld [tilespmem:$0x360];
	v43 =	vand.u32 $0x7FFFFFFF, v28;
	v6 =	vand.u32 $0x7FFFFFFF, v24;
	v1 =	vmul.f32 v20, v1  }
0x97: {  	v44 =	vld [tilespmem:$0x570];
	v45 =	vand.u32 $0x7FFFFFFF, v31;
	v47 =	vand.u32 $0x7FFFFFFF, v27;
	v2 =	vmul.f32 v23, v36  }
0x98: {  	v46 =	vld [tilespmem:$0x370];
	v51 =	vand.u32 $0x7FFFFFFF, v30;
	v42 =	vmul.f32 v26, v40;
	v0 =	vsub.f32 v0, v1  }
0x99: {  	v49 =	vld [tilespmem:$0x770];
	v52 =	vand.u32 $0x7FFFFFFF, v34;
	v3 =	vmul.f32 v29, v43;
	v1 =	vsub.f32 v39, v2  }
0x9a: {  	v5 =	vand.u32 $0x7FFFFFFF, v38;
	v48 =	vmul.f32 v32, v45;
	v2 =	vsub.f32 v6, v42;
	[tilespmem:$0x900] =	vst v0  }
0x9b: {  	v55 =	vand.u32 $0x7FFFFFFF, v33;
	v54 =	vmul.f32 v35, v52;
	v50 =	vsub.f32 v47, v3;
	[tilespmem:$0x910] =	vst v1  }
0x9c: {  	v56 =	vand.u32 $0x7FFFFFFF, v44;
	v5 =	vmul.f32 v41, v5;
	v53 =	vsub.f32 v51, v48;
	[tilespmem:$0x920] =	vst v2  }
0x9d: {  	v58 =	vand.u32 $0x7FFFFFFF, v37;
	v59 =	vmul.f32 v46, v56;
	v57 =	vsub.f32 v55, v54;
	[tilespmem:$0x930] =	vst v50  }
0x9e: {  	v61 =	vand.u32 $0x7FFFFFFF, v49;
	v60 =	vsub.f32 v58, v5;
	[tilespmem:$0x940] =	vst v53  }
0x9f: {  	v62 =	vsub.f32 v61, v59;
	[tilespmem:$0x950] =	vst v57  }
0xa0: {  	[tilespmem:$0x960] =	vst v60  }
0xa1: {  	[tilespmem:$0x970] =	vst v62  }
0xa2: {  	[hbm4b:s6+s4] =	stream.linear.scatter [tilespmem:s29], [sflag:$0x6], $0x80, $0x38;
	[tilespmem:$0xA00] =	vst v63  }
0xa3: {  	_ =	swait.ge [sflag:s30], $0x80  }
0xa4: {  	[sflag:s30] =	ssyncset.done $0x0  }
0xa5: {  	[sflag:s30] =	ssyncadd.s32 $0xFFFFFF80  }
0xa6: {  	_ =	swait.ge [sflag:s30], $0x80  }
0xa7: {  	[sflag:s30] =	ssyncset.done $0x0  }
0xa8: {  	[sflag:s30] =	ssyncadd.s32 $0xFFFFFF80  }
0xa9: {  	v63 =	vld [tilespmem:$0x780]  }
0xaa: {  	v20 =	vld [tilespmem:$0x580]  }
0xab: {  	v21 =	vld [tilespmem:$0x380]  }
0xac: {  	v22 =	vld [tilespmem:$0x790]  }
0xad: {  	v23 =	vld [tilespmem:$0x590]  }
0xae: {  	v24 =	vld [tilespmem:$0x390]  }
0xaf: {  	v25 =	vld [tilespmem:$0x7A0]  }
0xb0: {  	v26 =	vld [tilespmem:$0x5A0]  }
0xb1: {  	v27 =	vld [tilespmem:$0x3A0]  }
0xb2: {  	v28 =	vld [tilespmem:$0x7B0]  }
0xb3: {  	v29 =	vld [tilespmem:$0x5B0]  }
0xb4: {  	v30 =	vld [tilespmem:$0x3B0]  }
0xb5: {  	v31 =	vld [tilespmem:$0x7C0]  }
0xb6: {  	v32 =	vld [tilespmem:$0x5C0]  }
0xb7: {  	v33 =	vld [tilespmem:$0x3C0]  }
0xb8: {  	v34 =	vld [tilespmem:$0x7D0]  }
0xb9: {  	v35 =	vld [tilespmem:$0x5D0]  }
0xba: {  	v36 =	vld [tilespmem:$0x3D0]  }
0xbb: {  	v38 =	vld [tilespmem:$0x7E0];
	v1 =	vand.u32 $0x7FFFFFFF, v20;
	v37 =	vand.u32 $0x7FFFFFFF, v23  }
0xbc: {  	v39 =	vld [tilespmem:$0x5E0];
	v0 =	vand.u32 $0x7FFFFFFF, v63;
	v40 =	vand.u32 $0x7FFFFFFF, v22;
	v41 =	vand.u32 $0x7FFFFFFF, v26  }
0xbd: {  	v42 =	vld [tilespmem:$0x3E0];
	v44 =	vand.u32 $0x7FFFFFFF, v29;
	v6 =	vand.u32 $0x7FFFFFFF, v25;
	v1 =	vmul.f32 v21, v1  }
0xbe: {  	v45 =	vld [tilespmem:$0x5F0];
	v46 =	vand.u32 $0x7FFFFFFF, v32;
	v48 =	vand.u32 $0x7FFFFFFF, v28;
	v2 =	vmul.f32 v24, v37  }
0xbf: {  	v47 =	vld [tilespmem:$0x3F0];
	v52 =	vand.u32 $0x7FFFFFFF, v31;
	v43 =	vmul.f32 v27, v41;
	v0 =	vsub.f32 v0, v1  }
0xc0: {  	v50 =	vld [tilespmem:$0x7F0];
	v53 =	vand.u32 $0x7FFFFFFF, v35;
	v3 =	vmul.f32 v30, v44;
	v1 =	vsub.f32 v40, v2  }
0xc1: {  	v5 =	vand.u32 $0x7FFFFFFF, v39;
	v49 =	vmul.f32 v33, v46;
	v2 =	vsub.f32 v6, v43;
	[tilespmem:$0x980] =	vst v0  }
0xc2: {  	v57 =	vand.u32 $0x7FFFFFFF, v34;
	v55 =	vmul.f32 v36, v53;
	v51 =	vsub.f32 v48, v3;
	[tilespmem:$0x990] =	vst v1  }
0xc3: {  	v58 =	vand.u32 $0x7FFFFFFF, v45;
	v56 =	vmul.f32 v42, v5;
	v54 =	vsub.f32 v52, v49;
	[tilespmem:$0x9A0] =	vst v2  }
0xc4: {  	v4 =	vand.u32 $0x7FFFFFFF, v38;
	v60 =	vmul.f32 v47, v58;
	v59 =	vsub.f32 v57, v55;
	[tilespmem:$0x9B0] =	vst v51  }
0xc5: {  	v62 =	vand.u32 $0x7FFFFFFF, v50;
	v61 =	vsub.f32 v4, v56;
	[tilespmem:$0x9C0] =	vst v54  }
0xc6: {  	v63 =	vsub.f32 v62, v60;
	[tilespmem:$0x9D0] =	vst v59  }
0xc7: {  	[tilespmem:$0x9E0] =	vst v61  }
0xc8: {  	[tilespmem:$0x9F0] =	vst v63  }
0xc9: {  	[hbm4b:s7+s4] =	stream.linear.scatter [tilespmem:s31], [sflag:$0x6], $0x80, $0x38;
	[tilespmem:$0xA00] =	vst v63  }
0xca: {  	_ =	swait.ge [sflag:s0], $0x80  }
0xcb: {  	[sflag:s0] =	ssyncset.done $0x0  }
0xcc: {  	[sflag:s0] =	ssyncadd.s32 $0xFFFFFF80  }
0xcd: {  	_ =	swait.ge [sflag:s0], $0x80  }
0xce: {  	[sflag:s0] =	ssyncset.done $0x0  }
0xcf: {  	[sflag:s0] =	ssyncadd.s32 $0xFFFFFF80  }
0xd0: {  	p0 =	sne.s32 s8, $0x1;
	_ =	swait.ge [sflag:s0], $0x80  }
.Ltmp0:
0xd1: {  	[sflag:s0] =	ssyncset.done $0x0;
	(pc) =	sbr.rel @p0 .LBB2_1-.Ltmp0, $4  }
0xd2: {  	[sflag:s0] =	ssyncadd.s32 $0xFFFFFF80  }
0xd3: {  	_ =	swait.ge [sflag:s0], $0x80  }
0xd4: {  	[sflag:s0] =	ssyncset.done $0x0  }
0xd5: {  	s8 =	sadd.s32 $0xFFFFFFFF, s8;
	[sflag:s0] =	ssyncadd.s32 $0xFFFFFF80  }
0xd6: {  	_ =	sfence.sel $0x180000  }
0xd7: {  	[bflag:$0x0] =	sbarrier.arrive $0xFFFF  }
0xd8: {  	_ =	strace $0x90000047  }
0xd9: {  	s0 =	stileid.u32;
	[bflag:$0x2] =	sbarrier.arrive $0xFFFF  }
0xda: {  	p0 =	sne.s32 s0, $0x0;
	s0 =	rddreg [dreg:$0x5]  }
0xdb: {  	s0 =	sadd.s32 @!p0 $0x100000, s0  }
0xdc: {  	[sflag:s0] =	ssyncadd.tile.s32 @!p0 $0x1;
	_ =	shalt  }
.Lfunc_end2:
_tile_overlayer_lowered:
.L_overlay_start_2:
0xdd: {  	(tag) =	ssettag $0x2  }
0xde: {  	s0 =	rddreg [dreg:$0x0];
	s2 =	stileid.u32  }
0xdf: {  	s1 =	rddreg [dreg:$0x1];
	p0 =	sne.s32 s2, $0x0  }
0xe0: {  	s3 =	rddreg [dreg:$0x2];
	[bflag:$0x3] =	sbarrier.arrive $0xFFFF;
	s2 =	simm.s32 @!p0 $0x1C07  }
0xe1: {  	[timem:s3], [sflag:s2] =	dma.local @!p0 [hbm:s0], s1  }
0xe2: {  	s0 =	simm.s32 @!p0 $0x7  }
0xe3: {  	_ =	swait.ge @!p0 [sflag:s0], s1  }
0xe4: {  	s1 =	ssub.s32 @!p0 $0x0, s1;
	[sflag:s0] =	ssyncset.done @!p0 $0x0  }
0xe5: {  	[sflag:s0] =	ssyncadd.s32 @!p0 s1  }
0xe6: {  	[bflag:$0x3] =	sbarrier.arrive $0xFFFF  }
0xe7: {  	_ =	shalt  }

</sc_bundles>
